<compile_context>
chip_gen: v7x
topology: tpu7x:2x2x1
jax: 0.10.2.dev20260603
libtpu: 0.0.44.dev20260713+nightly
codegen_flags: <defaults>
</compile_context>

<pallas_src>
import functools

import jax
import jax.numpy as jnp
from jax import lax
from jax.experimental import pallas as pl
from jax.experimental.pallas import tpu as pltpu
from jax.experimental.pallas import tpu_sc as plsc

B = 2048
D = 2048
NP = 8
PE = 256
NC = 16
EPS = 1e-5

BB = 512

_DNT = (((1,), (1,)), ((), ()))

SC_CORES = 2
SC_SUBCORES = 16
NW = SC_CORES * SC_SUBCORES
BPW = B // NW


def _ln(v):
    n = v.shape[1]
    ones = jnp.ones((1, n), jnp.float32)
    ones_c = jnp.ones((n, 1), jnp.float32)
    m = jax.lax.dot_general(v, ones, _DNT) * (1.0 / n)
    s2 = jax.lax.dot_general(v * v, ones, _DNT) * (1.0 / n)
    inv = jax.lax.rsqrt(s2 - m * m + EPS)
    a = jax.lax.dot_general(inv, ones_c, _DNT)
    b = jax.lax.dot_general(-m * inv, ones_c, _DNT)
    return v * a + b


def _tc1_kernel(x_ref, wp_ref, wc_ref, wpp_ref, bp_ref, bpp_ref,
                pl_out, pl0t_out, clall_out, pp_out):
    xb = x_ref[...]
    pl0 = jax.lax.dot_general(xb, wp_ref[...], _DNT) + bp_ref[...]
    pl0t_out[...] = pl0.T
    clall_out[...] = jax.lax.dot_general(xb, wc_ref[...], _DNT)
    pln = _ln(pl0)
    pl_out[...] = pln
    pp_out[...] = jax.lax.dot_general(pln, wpp_ref[...], _DNT) + bpp_ref[...]


def _sc_route_kernel(pl0t_hbm, pc_hbm, buf, pcv):
    wid = lax.axis_index("s") * SC_CORES + lax.axis_index("c")
    base = wid * BPW
    for p in range(NP):
        pltpu.sync_copy(pl0t_hbm.at[pl.ds(p * B + base, BPW)],
                        buf.at[pl.ds(p * BPW, BPW)])
    for g in range(BPW // 16):
        off = g * 16
        best = buf[pl.ds(off, 16)]
        bidx = jnp.zeros((16,), jnp.int32)
        for p in range(1, NP):
            v = buf[pl.ds(p * BPW + off, 16)]
            gt = v > best
            best = jnp.where(gt, v, best)
            bidx = jnp.where(gt, jnp.full((16,), p, jnp.int32), bidx)
        pcv[pl.ds(off, 16)] = bidx
    pltpu.sync_copy(pcv, pc_hbm.at[pl.ds(base, BPW)])


def _tc2_kernel(clall_ref, pc_ref, wcp_ref, bc_ref, bcp_ref, cl_out, cp_out):
    pc = pc_ref[...]
    lane8 = jax.lax.broadcasted_iota(jnp.int32, (1, NP), 1)
    onehot8 = (pc == lane8).astype(jnp.float32)
    lane128 = jax.lax.broadcasted_iota(jnp.int32, (1, NP * NC), 1)
    mask128 = pc == (lane128 // NC)

    frow = jax.lax.broadcasted_iota(jnp.int32, (NC, NP * NC), 0)
    fcol = jax.lax.broadcasted_iota(jnp.int32, (NC, NP * NC), 1)
    fold = (fcol % NC == frow).astype(jnp.float32)

    clm = jnp.where(mask128, clall_ref[...], 0.0)
    cl16 = jax.lax.dot_general(clm, fold, _DNT)
    cl16 = cl16 + jax.lax.dot(onehot8, bc_ref[...])
    cln = _ln(cl16)
    cl_out[...] = cln
    rep = jax.lax.dot_general(cln, fold.T, _DNT)
    scat = jnp.where(mask128, rep, 0.0)
    cp = jax.lax.dot(scat, wcp_ref[...])
    cp_out[...] = cp + jax.lax.dot(onehot8, bcp_ref[...])


@jax.jit
def kernel(x, Wp, bp, Wpp, bpp, Wc, bc, Wcp, bcp):
    wc_flat = Wc.reshape(NP * NC, D)
    wcp_flat = jnp.transpose(Wcp, (0, 2, 1)).reshape(NP * NC, PE)

    pln, pl0t, cl_all, pp = pl.pallas_call(
        _tc1_kernel,
        grid=(B // BB,),
        in_specs=[
            pl.BlockSpec((BB, D), lambda i: (i, 0)),
            pl.BlockSpec((NP, D), lambda i: (0, 0)),
            pl.BlockSpec((NP * NC, D), lambda i: (0, 0)),
            pl.BlockSpec((PE, NP), lambda i: (0, 0)),
            pl.BlockSpec((1, NP), lambda i: (0, 0)),
            pl.BlockSpec((1, PE), lambda i: (0, 0)),
        ],
        out_specs=[
            pl.BlockSpec((BB, NP), lambda i: (i, 0)),
            pl.BlockSpec((NP, BB), lambda i: (0, i)),
            pl.BlockSpec((BB, NP * NC), lambda i: (i, 0)),
            pl.BlockSpec((BB, PE), lambda i: (i, 0)),
        ],
        out_shape=[
            jax.ShapeDtypeStruct((B, NP), jnp.float32),
            jax.ShapeDtypeStruct((NP, B), jnp.float32),
            jax.ShapeDtypeStruct((B, NP * NC), jnp.float32),
            jax.ShapeDtypeStruct((B, PE), jnp.float32),
        ],
    )(x, Wp, wc_flat, Wpp, bp[None, :], bpp[None, :])

    mesh = plsc.VectorSubcoreMesh(core_axis_name="c", subcore_axis_name="s")
    pc = pl.kernel(
        _sc_route_kernel,
        mesh=mesh,
        out_type=jax.ShapeDtypeStruct((B,), jnp.int32),
        scratch_types=[
            pltpu.VMEM((NP * BPW,), jnp.float32),
            pltpu.VMEM((BPW,), jnp.int32),
        ],
    )(pl0t.reshape(NP * B))

    cln, cp = pl.pallas_call(
        _tc2_kernel,
        grid=(B // BB,),
        in_specs=[
            pl.BlockSpec((BB, NP * NC), lambda i: (i, 0)),
            pl.BlockSpec((BB, 1), lambda i: (i, 0)),
            pl.BlockSpec((NP * NC, PE), lambda i: (0, 0)),
            pl.BlockSpec((NP, NC), lambda i: (0, 0)),
            pl.BlockSpec((NP, PE), lambda i: (0, 0)),
        ],
        out_specs=[
            pl.BlockSpec((BB, NC), lambda i: (i, 0)),
            pl.BlockSpec((BB, PE), lambda i: (i, 0)),
        ],
        out_shape=[
            jax.ShapeDtypeStruct((B, NC), jnp.float32),
            jax.ShapeDtypeStruct((B, PE), jnp.float32),
        ],
    )(cl_all, pc.reshape(B, 1), wcp_flat, bc, bcp)

    return (pln, cln, pp, cp)

# --- scband reference (transcript-rebuilt; emitter-appended) ---
"""Pipeline reference for scband-hierarchical-classifier-66769561584338 (READ-ONLY COPY).

The authoritative reference and input builder live on the scoring server;
editing this copy changes nothing except your own understanding.
"""

import jax, jax.numpy as jnp
import numpy as np

B = 2048
D = 2048
NP = 8
PE = 256
NC = 16
EPS = 1e-5

def _layer_norm(x):
    mean = jnp.mean(x, axis=-1, keepdims=True)
    var = jnp.var(x, axis=-1, keepdims=True)
    return (x - mean) / jnp.sqrt(var + EPS)

def setup_inputs(seed: int = 0) -> dict:
    key = jax.random.key(seed)
    ks = jax.random.split(key, 10)
    x = jax.random.normal(ks[0], (B, D), dtype=jnp.float32)
    # parent classifier params (trunc_normal std=2e-5, biases zero)
    Wp = jax.random.normal(ks[1], (NP, D), dtype=jnp.float32) * 2e-5
    bp = jnp.zeros((NP,), dtype=jnp.float32)
    Wpp = jax.random.normal(ks[2], (PE, NP), dtype=jnp.float32) * 2e-5
    bpp = jnp.zeros((PE,), dtype=jnp.float32)
    # child classifiers: one per parent (single hierarchy level, NC children each)
    Wc = jax.random.normal(ks[3], (NP, NC, D), dtype=jnp.float32) * 2e-5
    bc = jnp.zeros((NP, NC), dtype=jnp.float32)
    Wcp = jax.random.normal(ks[4], (NP, PE, NC), dtype=jnp.float32) * 2e-5
    bcp = jnp.zeros((NP, PE), dtype=jnp.float32)
    return {"x": x, "Wp": Wp, "bp": bp, "Wpp": Wpp, "bpp": bpp,
            "Wc": Wc, "bc": bc, "Wcp": Wcp, "bcp": bcp}

def reference(x, Wp, bp, Wpp, bpp, Wc, bc, Wcp, bcp):
    # head_drop / Dropout are identity in eval mode
    # parent classifier
    pl = x @ Wp.T + bp
    pl = _layer_norm(pl)
    parent_logits = pl
    parent_proj = pl @ Wpp.T + bpp
    parent_probs = jax.nn.softmax(parent_logits, axis=1)
    parent_class = jnp.argmax(parent_probs, axis=1)  # [B] int routing
    # per-token child classifier selected by parent_class (vectorized form of the python loop)
    Wsel = Wc[parent_class]          # [B, NC, D] gather
    bsel = bc[parent_class]          # [B, NC]
    cl = jnp.einsum('bd,bnd->bn', x, Wsel) + bsel
    cl = _layer_norm(cl)
    child_logits = cl                # [B, NC]
    Wpsel = Wcp[parent_class]        # [B, PE, NC]
    bpsel = bcp[parent_class]        # [B, PE]
    child_proj = jnp.einsum('bn,bpn->bp', cl, Wpsel) + bpsel
    return (parent_logits, child_logits, parent_proj, child_proj)

if __name__ == "__main__":
    import jax
    _d = setup_inputs()
    print(jax.jit(kernel)(*tuple(_d.values())))

</pallas_src>

<mosaic_0001>
#map = affine_map<(d0, d1) -> (0)>
module attributes {stable_mosaic.version = 14 : i64} {
  func.func @_sc_route_kernel(%arg0: i32, %arg1: i32, %arg2: memref<16384xf32, #tpu.memory_space<hbm>>, %arg3: memref<2048xi32, #tpu.memory_space<hbm>>, %arg4: memref<512xf32, #tpu.memory_space<vmem>>, %arg5: memref<64xi32, #tpu.memory_space<vmem>>) attributes {dimension_semantics = [#tpu.dimension_semantics<core_parallel>, #tpu.dimension_semantics<subcore_parallel>], iteration_bounds = array<i64: 2, 16>, scalar_prefetch = 0 : i64, scratch_operands = 2 : i64, tpu.core_type = #tpu.core_type<sc_vector_subcore>, window_params = [{transform_indices = #map}, {transform_indices = #map}]} {
    %mul3A = arith.constant 2 : i32
    %mul3A_0 = arith.muli %arg1, %mul3A : i32
    %add3A = arith.addi %mul3A_0, %arg0 : i32
    %mul3A_1 = arith.constant 64 : i32
    %mul3A_2 = arith.muli %add3A, %mul3A_1 : i32
    %add3A_3 = arith.constant 0 : i32
    %add3A_4 = arith.addi %add3A_3, %mul3A_2 : i32
    "tpu.region"() ({
      %run_scoped3A = tpu.sem_alloc : memref<!tpu.dma_semaphore, #tpu.memory_space<semaphore_mem>>
      %dma_start3A = arith.constant 0 : i32
      %dma_start3A_274 = tpu.memref_slice %arg4[%dma_start3A] : memref<512xf32, #tpu.memory_space<vmem>> -> memref<64xf32, #tpu.memory_space<vmem>>
      %dma_start3A_275 = tpu.memref_slice %arg2[%add3A_4] : memref<16384xf32, #tpu.memory_space<hbm>> -> memref<64xf32, #tpu.memory_space<hbm>>
      %dma_start3A_276 = arith.constant 0 : i32
      %dma_start3A_277 = tpu.memref_slice %arg4[%dma_start3A_276] : memref<512xf32, #tpu.memory_space<vmem>> -> memref<64xf32, #tpu.memory_space<vmem>>
      %dma_start3A_278 = tpu.memref_slice %arg2[%add3A_4] : memref<16384xf32, #tpu.memory_space<hbm>> -> memref<64xf32, #tpu.memory_space<hbm>>
      tpu.enqueue_dma source(%dma_start3A_278 : memref<64xf32, #tpu.memory_space<hbm>>) target(%dma_start3A_277 : memref<64xf32, #tpu.memory_space<vmem>>) target_semaphore(%run_scoped3A : memref<!tpu.dma_semaphore, #tpu.memory_space<semaphore_mem>>)
      %dma_wait3A = arith.constant 0 : i32
      %dma_wait3A_279 = tpu.memref_slice %arg4[%dma_wait3A] : memref<512xf32, #tpu.memory_space<vmem>> -> memref<64xf32, #tpu.memory_space<vmem>>
      %dma_wait3A_280 = tpu.memref_slice %arg2[%add3A_4] : memref<16384xf32, #tpu.memory_space<hbm>> -> memref<64xf32, #tpu.memory_space<hbm>>
      %dma_wait3A_281 = arith.constant 0 : i32
      %dma_wait3A_282 = tpu.memref_slice %arg4[%dma_wait3A_281] : memref<512xf32, #tpu.memory_space<vmem>> -> memref<64xf32, #tpu.memory_space<vmem>>
      %dma_wait3A_283 = tpu.memref_slice %arg2[%add3A_4] : memref<16384xf32, #tpu.memory_space<hbm>> -> memref<64xf32, #tpu.memory_space<hbm>>
      tpu.wait_dma2 semaphore(%run_scoped3A : memref<!tpu.dma_semaphore, #tpu.memory_space<semaphore_mem>>) src(%dma_wait3A_283 : memref<64xf32, #tpu.memory_space<hbm>>) dst(%dma_wait3A_282 : memref<64xf32, #tpu.memory_space<vmem>>)
      tpu.yield
    }) : () -> ()
    %add3A_5 = arith.constant 2048 : i32
    %add3A_6 = arith.addi %add3A_5, %mul3A_2 : i32
    "tpu.region"() ({
      %run_scoped3A = tpu.sem_alloc : memref<!tpu.dma_semaphore, #tpu.memory_space<semaphore_mem>>
      %dma_start3A = arith.constant 64 : i32
      %dma_start3A_274 = tpu.memref_slice %arg4[%dma_start3A] : memref<512xf32, #tpu.memory_space<vmem>> -> memref<64xf32, #tpu.memory_space<vmem>>
      %dma_start3A_275 = tpu.memref_slice %arg2[%add3A_6] : memref<16384xf32, #tpu.memory_space<hbm>> -> memref<64xf32, #tpu.memory_space<hbm>>
      %dma_start3A_276 = arith.constant 64 : i32
      %dma_start3A_277 = tpu.memref_slice %arg4[%dma_start3A_276] : memref<512xf32, #tpu.memory_space<vmem>> -> memref<64xf32, #tpu.memory_space<vmem>>
      %dma_start3A_278 = tpu.memref_slice %arg2[%add3A_6] : memref<16384xf32, #tpu.memory_space<hbm>> -> memref<64xf32, #tpu.memory_space<hbm>>
      tpu.enqueue_dma source(%dma_start3A_278 : memref<64xf32, #tpu.memory_space<hbm>>) target(%dma_start3A_277 : memref<64xf32, #tpu.memory_space<vmem>>) target_semaphore(%run_scoped3A : memref<!tpu.dma_semaphore, #tpu.memory_space<semaphore_mem>>)
      %dma_wait3A = arith.constant 64 : i32
      %dma_wait3A_279 = tpu.memref_slice %arg4[%dma_wait3A] : memref<512xf32, #tpu.memory_space<vmem>> -> memref<64xf32, #tpu.memory_space<vmem>>
      %dma_wait3A_280 = tpu.memref_slice %arg2[%add3A_6] : memref<16384xf32, #tpu.memory_space<hbm>> -> memref<64xf32, #tpu.memory_space<hbm>>
      %dma_wait3A_281 = arith.constant 64 : i32
      %dma_wait3A_282 = tpu.memref_slice %arg4[%dma_wait3A_281] : memref<512xf32, #tpu.memory_space<vmem>> -> memref<64xf32, #tpu.memory_space<vmem>>
      %dma_wait3A_283 = tpu.memref_slice %arg2[%add3A_6] : memref<16384xf32, #tpu.memory_space<hbm>> -> memref<64xf32, #tpu.memory_space<hbm>>
      tpu.wait_dma2 semaphore(%run_scoped3A : memref<!tpu.dma_semaphore, #tpu.memory_space<semaphore_mem>>) src(%dma_wait3A_283 : memref<64xf32, #tpu.memory_space<hbm>>) dst(%dma_wait3A_282 : memref<64xf32, #tpu.memory_space<vmem>>)
      tpu.yield
    }) : () -> ()
    %add3A_7 = arith.constant 4096 : i32
    %add3A_8 = arith.addi %add3A_7, %mul3A_2 : i32
    "tpu.region"() ({
      %run_scoped3A = tpu.sem_alloc : memref<!tpu.dma_semaphore, #tpu.memory_space<semaphore_mem>>
      %dma_start3A = arith.constant 128 : i32
      %dma_start3A_274 = tpu.memref_slice %arg4[%dma_start3A] : memref<512xf32, #tpu.memory_space<vmem>> -> memref<64xf32, #tpu.memory_space<vmem>>
      %dma_start3A_275 = tpu.memref_slice %arg2[%add3A_8] : memref<16384xf32, #tpu.memory_space<hbm>> -> memref<64xf32, #tpu.memory_space<hbm>>
      %dma_start3A_276 = arith.constant 128 : i32
      %dma_start3A_277 = tpu.memref_slice %arg4[%dma_start3A_276] : memref<512xf32, #tpu.memory_space<vmem>> -> memref<64xf32, #tpu.memory_space<vmem>>
      %dma_start3A_278 = tpu.memref_slice %arg2[%add3A_8] : memref<16384xf32, #tpu.memory_space<hbm>> -> memref<64xf32, #tpu.memory_space<hbm>>
      tpu.enqueue_dma source(%dma_start3A_278 : memref<64xf32, #tpu.memory_space<hbm>>) target(%dma_start3A_277 : memref<64xf32, #tpu.memory_space<vmem>>) target_semaphore(%run_scoped3A : memref<!tpu.dma_semaphore, #tpu.memory_space<semaphore_mem>>)
      %dma_wait3A = arith.constant 128 : i32
      %dma_wait3A_279 = tpu.memref_slice %arg4[%dma_wait3A] : memref<512xf32, #tpu.memory_space<vmem>> -> memref<64xf32, #tpu.memory_space<vmem>>
      %dma_wait3A_280 = tpu.memref_slice %arg2[%add3A_8] : memref<16384xf32, #tpu.memory_space<hbm>> -> memref<64xf32, #tpu.memory_space<hbm>>
      %dma_wait3A_281 = arith.constant 128 : i32
      %dma_wait3A_282 = tpu.memref_slice %arg4[%dma_wait3A_281] : memref<512xf32, #tpu.memory_space<vmem>> -> memref<64xf32, #tpu.memory_space<vmem>>
      %dma_wait3A_283 = tpu.memref_slice %arg2[%add3A_8] : memref<16384xf32, #tpu.memory_space<hbm>> -> memref<64xf32, #tpu.memory_space<hbm>>
      tpu.wait_dma2 semaphore(%run_scoped3A : memref<!tpu.dma_semaphore, #tpu.memory_space<semaphore_mem>>) src(%dma_wait3A_283 : memref<64xf32, #tpu.memory_space<hbm>>) dst(%dma_wait3A_282 : memref<64xf32, #tpu.memory_space<vmem>>)
      tpu.yield
    }) : () -> ()
    %add3A_9 = arith.constant 6144 : i32
    %add3A_10 = arith.addi %add3A_9, %mul3A_2 : i32
    "tpu.region"() ({
      %run_scoped3A = tpu.sem_alloc : memref<!tpu.dma_semaphore, #tpu.memory_space<semaphore_mem>>
      %dma_start3A = arith.constant 192 : i32
      %dma_start3A_274 = tpu.memref_slice %arg4[%dma_start3A] : memref<512xf32, #tpu.memory_space<vmem>> -> memref<64xf32, #tpu.memory_space<vmem>>
      %dma_start3A_275 = tpu.memref_slice %arg2[%add3A_10] : memref<16384xf32, #tpu.memory_space<hbm>> -> memref<64xf32, #tpu.memory_space<hbm>>
      %dma_start3A_276 = arith.constant 192 : i32
      %dma_start3A_277 = tpu.memref_slice %arg4[%dma_start3A_276] : memref<512xf32, #tpu.memory_space<vmem>> -> memref<64xf32, #tpu.memory_space<vmem>>
      %dma_start3A_278 = tpu.memref_slice %arg2[%add3A_10] : memref<16384xf32, #tpu.memory_space<hbm>> -> memref<64xf32, #tpu.memory_space<hbm>>
      tpu.enqueue_dma source(%dma_start3A_278 : memref<64xf32, #tpu.memory_space<hbm>>) target(%dma_start3A_277 : memref<64xf32, #tpu.memory_space<vmem>>) target_semaphore(%run_scoped3A : memref<!tpu.dma_semaphore, #tpu.memory_space<semaphore_mem>>)
      %dma_wait3A = arith.constant 192 : i32
      %dma_wait3A_279 = tpu.memref_slice %arg4[%dma_wait3A] : memref<512xf32, #tpu.memory_space<vmem>> -> memref<64xf32, #tpu.memory_space<vmem>>
      %dma_wait3A_280 = tpu.memref_slice %arg2[%add3A_10] : memref<16384xf32, #tpu.memory_space<hbm>> -> memref<64xf32, #tpu.memory_space<hbm>>
      %dma_wait3A_281 = arith.constant 192 : i32
      %dma_wait3A_282 = tpu.memref_slice %arg4[%dma_wait3A_281] : memref<512xf32, #tpu.memory_space<vmem>> -> memref<64xf32, #tpu.memory_space<vmem>>
      %dma_wait3A_283 = tpu.memref_slice %arg2[%add3A_10] : memref<16384xf32, #tpu.memory_space<hbm>> -> memref<64xf32, #tpu.memory_space<hbm>>
      tpu.wait_dma2 semaphore(%run_scoped3A : memref<!tpu.dma_semaphore, #tpu.memory_space<semaphore_mem>>) src(%dma_wait3A_283 : memref<64xf32, #tpu.memory_space<hbm>>) dst(%dma_wait3A_282 : memref<64xf32, #tpu.memory_space<vmem>>)
      tpu.yield
    }) : () -> ()
    %add3A_11 = arith.constant 8192 : i32
    %add3A_12 = arith.addi %add3A_11, %mul3A_2 : i32
    "tpu.region"() ({
      %run_scoped3A = tpu.sem_alloc : memref<!tpu.dma_semaphore, #tpu.memory_space<semaphore_mem>>
      %dma_start3A = arith.constant 256 : i32
      %dma_start3A_274 = tpu.memref_slice %arg4[%dma_start3A] : memref<512xf32, #tpu.memory_space<vmem>> -> memref<64xf32, #tpu.memory_space<vmem>>
      %dma_start3A_275 = tpu.memref_slice %arg2[%add3A_12] : memref<16384xf32, #tpu.memory_space<hbm>> -> memref<64xf32, #tpu.memory_space<hbm>>
      %dma_start3A_276 = arith.constant 256 : i32
      %dma_start3A_277 = tpu.memref_slice %arg4[%dma_start3A_276] : memref<512xf32, #tpu.memory_space<vmem>> -> memref<64xf32, #tpu.memory_space<vmem>>
      %dma_start3A_278 = tpu.memref_slice %arg2[%add3A_12] : memref<16384xf32, #tpu.memory_space<hbm>> -> memref<64xf32, #tpu.memory_space<hbm>>
      tpu.enqueue_dma source(%dma_start3A_278 : memref<64xf32, #tpu.memory_space<hbm>>) target(%dma_start3A_277 : memref<64xf32, #tpu.memory_space<vmem>>) target_semaphore(%run_scoped3A : memref<!tpu.dma_semaphore, #tpu.memory_space<semaphore_mem>>)
      %dma_wait3A = arith.constant 256 : i32
      %dma_wait3A_279 = tpu.memref_slice %arg4[%dma_wait3A] : memref<512xf32, #tpu.memory_space<vmem>> -> memref<64xf32, #tpu.memory_space<vmem>>
      %dma_wait3A_280 = tpu.memref_slice %arg2[%add3A_12] : memref<16384xf32, #tpu.memory_space<hbm>> -> memref<64xf32, #tpu.memory_space<hbm>>
      %dma_wait3A_281 = arith.constant 256 : i32
      %dma_wait3A_282 = tpu.memref_slice %arg4[%dma_wait3A_281] : memref<512xf32, #tpu.memory_space<vmem>> -> memref<64xf32, #tpu.memory_space<vmem>>
      %dma_wait3A_283 = tpu.memref_slice %arg2[%add3A_12] : memref<16384xf32, #tpu.memory_space<hbm>> -> memref<64xf32, #tpu.memory_space<hbm>>
      tpu.wait_dma2 semaphore(%run_scoped3A : memref<!tpu.dma_semaphore, #tpu.memory_space<semaphore_mem>>) src(%dma_wait3A_283 : memref<64xf32, #tpu.memory_space<hbm>>) dst(%dma_wait3A_282 : memref<64xf32, #tpu.memory_space<vmem>>)
      tpu.yield
    }) : () -> ()
    %add3A_13 = arith.constant 10240 : i32
    %add3A_14 = arith.addi %add3A_13, %mul3A_2 : i32
    "tpu.region"() ({
      %run_scoped3A = tpu.sem_alloc : memref<!tpu.dma_semaphore, #tpu.memory_space<semaphore_mem>>
      %dma_start3A = arith.constant 320 : i32
      %dma_start3A_274 = tpu.memref_slice %arg4[%dma_start3A] : memref<512xf32, #tpu.memory_space<vmem>> -> memref<64xf32, #tpu.memory_space<vmem>>
      %dma_start3A_275 = tpu.memref_slice %arg2[%add3A_14] : memref<16384xf32, #tpu.memory_space<hbm>> -> memref<64xf32, #tpu.memory_space<hbm>>
      %dma_start3A_276 = arith.constant 320 : i32
      %dma_start3A_277 = tpu.memref_slice %arg4[%dma_start3A_276] : memref<512xf32, #tpu.memory_space<vmem>> -> memref<64xf32, #tpu.memory_space<vmem>>
      %dma_start3A_278 = tpu.memref_slice %arg2[%add3A_14] : memref<16384xf32, #tpu.memory_space<hbm>> -> memref<64xf32, #tpu.memory_space<hbm>>
      tpu.enqueue_dma source(%dma_start3A_278 : memref<64xf32, #tpu.memory_space<hbm>>) target(%dma_start3A_277 : memref<64xf32, #tpu.memory_space<vmem>>) target_semaphore(%run_scoped3A : memref<!tpu.dma_semaphore, #tpu.memory_space<semaphore_mem>>)
      %dma_wait3A = arith.constant 320 : i32
      %dma_wait3A_279 = tpu.memref_slice %arg4[%dma_wait3A] : memref<512xf32, #tpu.memory_space<vmem>> -> memref<64xf32, #tpu.memory_space<vmem>>
      %dma_wait3A_280 = tpu.memref_slice %arg2[%add3A_14] : memref<16384xf32, #tpu.memory_space<hbm>> -> memref<64xf32, #tpu.memory_space<hbm>>
      %dma_wait3A_281 = arith.constant 320 : i32
      %dma_wait3A_282 = tpu.memref_slice %arg4[%dma_wait3A_281] : memref<512xf32, #tpu.memory_space<vmem>> -> memref<64xf32, #tpu.memory_space<vmem>>
      %dma_wait3A_283 = tpu.memref_slice %arg2[%add3A_14] : memref<16384xf32, #tpu.memory_space<hbm>> -> memref<64xf32, #tpu.memory_space<hbm>>
      tpu.wait_dma2 semaphore(%run_scoped3A : memref<!tpu.dma_semaphore, #tpu.memory_space<semaphore_mem>>) src(%dma_wait3A_283 : memref<64xf32, #tpu.memory_space<hbm>>) dst(%dma_wait3A_282 : memref<64xf32, #tpu.memory_space<vmem>>)
      tpu.yield
    }) : () -> ()
    %add3A_15 = arith.constant 12288 : i32
    %add3A_16 = arith.addi %add3A_15, %mul3A_2 : i32
    "tpu.region"() ({
      %run_scoped3A = tpu.sem_alloc : memref<!tpu.dma_semaphore, #tpu.memory_space<semaphore_mem>>
      %dma_start3A = arith.constant 384 : i32
      %dma_start3A_274 = tpu.memref_slice %arg4[%dma_start3A] : memref<512xf32, #tpu.memory_space<vmem>> -> memref<64xf32, #tpu.memory_space<vmem>>
      %dma_start3A_275 = tpu.memref_slice %arg2[%add3A_16] : memref<16384xf32, #tpu.memory_space<hbm>> -> memref<64xf32, #tpu.memory_space<hbm>>
      %dma_start3A_276 = arith.constant 384 : i32
      %dma_start3A_277 = tpu.memref_slice %arg4[%dma_start3A_276] : memref<512xf32, #tpu.memory_space<vmem>> -> memref<64xf32, #tpu.memory_space<vmem>>
      %dma_start3A_278 = tpu.memref_slice %arg2[%add3A_16] : memref<16384xf32, #tpu.memory_space<hbm>> -> memref<64xf32, #tpu.memory_space<hbm>>
      tpu.enqueue_dma source(%dma_start3A_278 : memref<64xf32, #tpu.memory_space<hbm>>) target(%dma_start3A_277 : memref<64xf32, #tpu.memory_space<vmem>>) target_semaphore(%run_scoped3A : memref<!tpu.dma_semaphore, #tpu.memory_space<semaphore_mem>>)
      %dma_wait3A = arith.constant 384 : i32
      %dma_wait3A_279 = tpu.memref_slice %arg4[%dma_wait3A] : memref<512xf32, #tpu.memory_space<vmem>> -> memref<64xf32, #tpu.memory_space<vmem>>
      %dma_wait3A_280 = tpu.memref_slice %arg2[%add3A_16] : memref<16384xf32, #tpu.memory_space<hbm>> -> memref<64xf32, #tpu.memory_space<hbm>>
      %dma_wait3A_281 = arith.constant 384 : i32
      %dma_wait3A_282 = tpu.memref_slice %arg4[%dma_wait3A_281] : memref<512xf32, #tpu.memory_space<vmem>> -> memref<64xf32, #tpu.memory_space<vmem>>
      %dma_wait3A_283 = tpu.memref_slice %arg2[%add3A_16] : memref<16384xf32, #tpu.memory_space<hbm>> -> memref<64xf32, #tpu.memory_space<hbm>>
      tpu.wait_dma2 semaphore(%run_scoped3A : memref<!tpu.dma_semaphore, #tpu.memory_space<semaphore_mem>>) src(%dma_wait3A_283 : memref<64xf32, #tpu.memory_space<hbm>>) dst(%dma_wait3A_282 : memref<64xf32, #tpu.memory_space<vmem>>)
      tpu.yield
    }) : () -> ()
    %add3A_17 = arith.constant 14336 : i32
    %add3A_18 = arith.addi %add3A_17, %mul3A_2 : i32
    "tpu.region"() ({
      %run_scoped3A = tpu.sem_alloc : memref<!tpu.dma_semaphore, #tpu.memory_space<semaphore_mem>>
      %dma_start3A = arith.constant 448 : i32
      %dma_start3A_274 = tpu.memref_slice %arg4[%dma_start3A] : memref<512xf32, #tpu.memory_space<vmem>> -> memref<64xf32, #tpu.memory_space<vmem>>
      %dma_start3A_275 = tpu.memref_slice %arg2[%add3A_18] : memref<16384xf32, #tpu.memory_space<hbm>> -> memref<64xf32, #tpu.memory_space<hbm>>
      %dma_start3A_276 = arith.constant 448 : i32
      %dma_start3A_277 = tpu.memref_slice %arg4[%dma_start3A_276] : memref<512xf32, #tpu.memory_space<vmem>> -> memref<64xf32, #tpu.memory_space<vmem>>
      %dma_start3A_278 = tpu.memref_slice %arg2[%add3A_18] : memref<16384xf32, #tpu.memory_space<hbm>> -> memref<64xf32, #tpu.memory_space<hbm>>
      tpu.enqueue_dma source(%dma_start3A_278 : memref<64xf32, #tpu.memory_space<hbm>>) target(%dma_start3A_277 : memref<64xf32, #tpu.memory_space<vmem>>) target_semaphore(%run_scoped3A : memref<!tpu.dma_semaphore, #tpu.memory_space<semaphore_mem>>)
      %dma_wait3A = arith.constant 448 : i32
      %dma_wait3A_279 = tpu.memref_slice %arg4[%dma_wait3A] : memref<512xf32, #tpu.memory_space<vmem>> -> memref<64xf32, #tpu.memory_space<vmem>>
      %dma_wait3A_280 = tpu.memref_slice %arg2[%add3A_18] : memref<16384xf32, #tpu.memory_space<hbm>> -> memref<64xf32, #tpu.memory_space<hbm>>
      %dma_wait3A_281 = arith.constant 448 : i32
      %dma_wait3A_282 = tpu.memref_slice %arg4[%dma_wait3A_281] : memref<512xf32, #tpu.memory_space<vmem>> -> memref<64xf32, #tpu.memory_space<vmem>>
      %dma_wait3A_283 = tpu.memref_slice %arg2[%add3A_18] : memref<16384xf32, #tpu.memory_space<hbm>> -> memref<64xf32, #tpu.memory_space<hbm>>
      tpu.wait_dma2 semaphore(%run_scoped3A : memref<!tpu.dma_semaphore, #tpu.memory_space<semaphore_mem>>) src(%dma_wait3A_283 : memref<64xf32, #tpu.memory_space<hbm>>) dst(%dma_wait3A_282 : memref<64xf32, #tpu.memory_space<vmem>>)
      tpu.yield
    }) : () -> ()
    %get3A = arith.constant 0 : index
    %get3A_19 = tpu.vector_load %arg4[%get3A] {strides = array<i32>} : memref<512xf32, #tpu.memory_space<vmem>>, vector<16xf32>,
    %get3A_20 = vector.shape_cast %get3A_19 : vector<16xf32> to vector<16xf32>
    %broadcast_in_dim3A = arith.constant 0 : i32
    %broadcast_in_dim3A_21 = vector.broadcast %broadcast_in_dim3A : i32 to vector<16xi32>
    %get3A_22 = arith.constant 64 : index
    %get3A_23 = tpu.vector_load %arg4[%get3A_22] {strides = array<i32>} : memref<512xf32, #tpu.memory_space<vmem>>, vector<16xf32>,
    %get3A_24 = vector.shape_cast %get3A_23 : vector<16xf32> to vector<16xf32>
    %gt3A = arith.cmpf ogt, %get3A_24, %get3A_20 : vector<16xf32>
    %select_n3A = arith.select %gt3A, %get3A_24, %get3A_20 : vector<16xi1>, vector<16xf32>
    %broadcast_in_dim3A_25 = arith.constant 1 : i32
    %broadcast_in_dim3A_26 = vector.broadcast %broadcast_in_dim3A_25 : i32 to vector<16xi32>
    %select_n3A_27 = arith.select %gt3A, %broadcast_in_dim3A_26, %broadcast_in_dim3A_21 : vector<16xi1>, vector<16xi32>
    %get3A_28 = arith.constant 128 : index
    %get3A_29 = tpu.vector_load %arg4[%get3A_28] {strides = array<i32>} : memref<512xf32, #tpu.memory_space<vmem>>, vector<16xf32>,
    %get3A_30 = vector.shape_cast %get3A_29 : vector<16xf32> to vector<16xf32>
    %gt3A_31 = arith.cmpf ogt, %get3A_30, %select_n3A : vector<16xf32>
    %select_n3A_32 = arith.select %gt3A_31, %get3A_30, %select_n3A : vector<16xi1>, vector<16xf32>
    %broadcast_in_dim3A_33 = arith.constant 2 : i32
    %broadcast_in_dim3A_34 = vector.broadcast %broadcast_in_dim3A_33 : i32 to vector<16xi32>
    %select_n3A_35 = arith.select %gt3A_31, %broadcast_in_dim3A_34, %select_n3A_27 : vector<16xi1>, vector<16xi32>
    %get3A_36 = arith.constant 192 : index
    %get3A_37 = tpu.vector_load %arg4[%get3A_36] {strides = array<i32>} : memref<512xf32, #tpu.memory_space<vmem>>, vector<16xf32>,
    %get3A_38 = vector.shape_cast %get3A_37 : vector<16xf32> to vector<16xf32>
    %gt3A_39 = arith.cmpf ogt, %get3A_38, %select_n3A_32 : vector<16xf32>
    %select_n3A_40 = arith.select %gt3A_39, %get3A_38, %select_n3A_32 : vector<16xi1>, vector<16xf32>
    %broadcast_in_dim3A_41 = arith.constant 3 : i32
    %broadcast_in_dim3A_42 = vector.broadcast %broadcast_in_dim3A_41 : i32 to vector<16xi32>
    %select_n3A_43 = arith.select %gt3A_39, %broadcast_in_dim3A_42, %select_n3A_35 : vector<16xi1>, vector<16xi32>
    %get3A_44 = arith.constant 256 : index
    %get3A_45 = tpu.vector_load %arg4[%get3A_44] {strides = array<i32>} : memref<512xf32, #tpu.memory_space<vmem>>, vector<16xf32>,
    %get3A_46 = vector.shape_cast %get3A_45 : vector<16xf32> to vector<16xf32>
    %gt3A_47 = arith.cmpf ogt, %get3A_46, %select_n3A_40 : vector<16xf32>
    %select_n3A_48 = arith.select %gt3A_47, %get3A_46, %select_n3A_40 : vector<16xi1>, vector<16xf32>
    %broadcast_in_dim3A_49 = arith.constant 4 : i32
    %broadcast_in_dim3A_50 = vector.broadcast %broadcast_in_dim3A_49 : i32 to vector<16xi32>
    %select_n3A_51 = arith.select %gt3A_47, %broadcast_in_dim3A_50, %select_n3A_43 : vector<16xi1>, vector<16xi32>
    %get3A_52 = arith.constant 320 : index
    %get3A_53 = tpu.vector_load %arg4[%get3A_52] {strides = array<i32>} : memref<512xf32, #tpu.memory_space<vmem>>, vector<16xf32>,
    %get3A_54 = vector.shape_cast %get3A_53 : vector<16xf32> to vector<16xf32>
    %gt3A_55 = arith.cmpf ogt, %get3A_54, %select_n3A_48 : vector<16xf32>
    %select_n3A_56 = arith.select %gt3A_55, %get3A_54, %select_n3A_48 : vector<16xi1>, vector<16xf32>
    %broadcast_in_dim3A_57 = arith.constant 5 : i32
    %broadcast_in_dim3A_58 = vector.broadcast %broadcast_in_dim3A_57 : i32 to vector<16xi32>
    %select_n3A_59 = arith.select %gt3A_55, %broadcast_in_dim3A_58, %select_n3A_51 : vector<16xi1>, vector<16xi32>
    %get3A_60 = arith.constant 384 : index
    %get3A_61 = tpu.vector_load %arg4[%get3A_60] {strides = array<i32>} : memref<512xf32, #tpu.memory_space<vmem>>, vector<16xf32>,
    %get3A_62 = vector.shape_cast %get3A_61 : vector<16xf32> to vector<16xf32>
    %gt3A_63 = arith.cmpf ogt, %get3A_62, %select_n3A_56 : vector<16xf32>
    %select_n3A_64 = arith.select %gt3A_63, %get3A_62, %select_n3A_56 : vector<16xi1>, vector<16xf32>
    %broadcast_in_dim3A_65 = arith.constant 6 : i32
    %broadcast_in_dim3A_66 = vector.broadcast %broadcast_in_dim3A_65 : i32 to vector<16xi32>
    %select_n3A_67 = arith.select %gt3A_63, %broadcast_in_dim3A_66, %select_n3A_59 : vector<16xi1>, vector<16xi32>
    %get3A_68 = arith.constant 448 : index
    %get3A_69 = tpu.vector_load %arg4[%get3A_68] {strides = array<i32>} : memref<512xf32, #tpu.memory_space<vmem>>, vector<16xf32>,
    %get3A_70 = vector.shape_cast %get3A_69 : vector<16xf32> to vector<16xf32>
    %gt3A_71 = arith.cmpf ogt, %get3A_70, %select_n3A_64 : vector<16xf32>
    %select_n3A_72 = arith.select %gt3A_71, %get3A_70, %select_n3A_64 : vector<16xi1>, vector<16xf32>
    %broadcast_in_dim3A_73 = arith.constant 7 : i32
    %broadcast_in_dim3A_74 = vector.broadcast %broadcast_in_dim3A_73 : i32 to vector<16xi32>
    %select_n3A_75 = arith.select %gt3A_71, %broadcast_in_dim3A_74, %select_n3A_67 : vector<16xi1>, vector<16xi32>
    %swap3A = arith.constant 0 : index
    %swap3A_76 = tpu.vector_load %arg5[%swap3A] {strides = array<i32>} : memref<64xi32, #tpu.memory_space<vmem>>, vector<16xi32>,
    %swap3A_77 = vector.shape_cast %swap3A_76 : vector<16xi32> to vector<16xi32>
    %swap3A_78 = vector.shape_cast %select_n3A_75 : vector<16xi32> to vector<16xi32>
    tpu.vector_store %arg5[%swap3A], %swap3A_78 {strides = array<i32>} : memref<64xi32, #tpu.memory_space<vmem>>, vector<16xi32>,
    %get3A_79 = arith.constant 16 : index
    %get3A_80 = tpu.vector_load %arg4[%get3A_79] {strides = array<i32>} : memref<512xf32, #tpu.memory_space<vmem>>, vector<16xf32>,
    %get3A_81 = vector.shape_cast %get3A_80 : vector<16xf32> to vector<16xf32>
    %broadcast_in_dim3A_82 = arith.constant 0 : i32
    %broadcast_in_dim3A_83 = vector.broadcast %broadcast_in_dim3A_82 : i32 to vector<16xi32>
    %get3A_84 = arith.constant 80 : index
    %get3A_85 = tpu.vector_load %arg4[%get3A_84] {strides = array<i32>} : memref<512xf32, #tpu.memory_space<vmem>>, vector<16xf32>,
    %get3A_86 = vector.shape_cast %get3A_85 : vector<16xf32> to vector<16xf32>
    %gt3A_87 = arith.cmpf ogt, %get3A_86, %get3A_81 : vector<16xf32>
    %select_n3A_88 = arith.select %gt3A_87, %get3A_86, %get3A_81 : vector<16xi1>, vector<16xf32>
    %broadcast_in_dim3A_89 = arith.constant 1 : i32
    %broadcast_in_dim3A_90 = vector.broadcast %broadcast_in_dim3A_89 : i32 to vector<16xi32>
    %select_n3A_91 = arith.select %gt3A_87, %broadcast_in_dim3A_90, %broadcast_in_dim3A_83 : vector<16xi1>, vector<16xi32>
    %get3A_92 = arith.constant 144 : index
    %get3A_93 = tpu.vector_load %arg4[%get3A_92] {strides = array<i32>} : memref<512xf32, #tpu.memory_space<vmem>>, vector<16xf32>,
    %get3A_94 = vector.shape_cast %get3A_93 : vector<16xf32> to vector<16xf32>
    %gt3A_95 = arith.cmpf ogt, %get3A_94, %select_n3A_88 : vector<16xf32>
    %select_n3A_96 = arith.select %gt3A_95, %get3A_94, %select_n3A_88 : vector<16xi1>, vector<16xf32>
    %broadcast_in_dim3A_97 = arith.constant 2 : i32
    %broadcast_in_dim3A_98 = vector.broadcast %broadcast_in_dim3A_97 : i32 to vector<16xi32>
    %select_n3A_99 = arith.select %gt3A_95, %broadcast_in_dim3A_98, %select_n3A_91 : vector<16xi1>, vector<16xi32>
    %get3A_100 = arith.constant 208 : index
    %get3A_101 = tpu.vector_load %arg4[%get3A_100] {strides = array<i32>} : memref<512xf32, #tpu.memory_space<vmem>>, vector<16xf32>,
    %get3A_102 = vector.shape_cast %get3A_101 : vector<16xf32> to vector<16xf32>
    %gt3A_103 = arith.cmpf ogt, %get3A_102, %select_n3A_96 : vector<16xf32>
    %select_n3A_104 = arith.select %gt3A_103, %get3A_102, %select_n3A_96 : vector<16xi1>, vector<16xf32>
    %broadcast_in_dim3A_105 = arith.constant 3 : i32
    %broadcast_in_dim3A_106 = vector.broadcast %broadcast_in_dim3A_105 : i32 to vector<16xi32>
    %select_n3A_107 = arith.select %gt3A_103, %broadcast_in_dim3A_106, %select_n3A_99 : vector<16xi1>, vector<16xi32>
    %get3A_108 = arith.constant 272 : index
    %get3A_109 = tpu.vector_load %arg4[%get3A_108] {strides = array<i32>} : memref<512xf32, #tpu.memory_space<vmem>>, vector<16xf32>,
    %get3A_110 = vector.shape_cast %get3A_109 : vector<16xf32> to vector<16xf32>
    %gt3A_111 = arith.cmpf ogt, %get3A_110, %select_n3A_104 : vector<16xf32>
    %select_n3A_112 = arith.select %gt3A_111, %get3A_110, %select_n3A_104 : vector<16xi1>, vector<16xf32>
    %broadcast_in_dim3A_113 = arith.constant 4 : i32
    %broadcast_in_dim3A_114 = vector.broadcast %broadcast_in_dim3A_113 : i32 to vector<16xi32>
    %select_n3A_115 = arith.select %gt3A_111, %broadcast_in_dim3A_114, %select_n3A_107 : vector<16xi1>, vector<16xi32>
    %get3A_116 = arith.constant 336 : index
    %get3A_117 = tpu.vector_load %arg4[%get3A_116] {strides = array<i32>} : memref<512xf32, #tpu.memory_space<vmem>>, vector<16xf32>,
    %get3A_118 = vector.shape_cast %get3A_117 : vector<16xf32> to vector<16xf32>
    %gt3A_119 = arith.cmpf ogt, %get3A_118, %select_n3A_112 : vector<16xf32>
    %select_n3A_120 = arith.select %gt3A_119, %get3A_118, %select_n3A_112 : vector<16xi1>, vector<16xf32>
    %broadcast_in_dim3A_121 = arith.constant 5 : i32
    %broadcast_in_dim3A_122 = vector.broadcast %broadcast_in_dim3A_121 : i32 to vector<16xi32>
    %select_n3A_123 = arith.select %gt3A_119, %broadcast_in_dim3A_122, %select_n3A_115 : vector<16xi1>, vector<16xi32>
    %get3A_124 = arith.constant 400 : index
    %get3A_125 = tpu.vector_load %arg4[%get3A_124] {strides = array<i32>} : memref<512xf32, #tpu.memory_space<vmem>>, vector<16xf32>,
    %get3A_126 = vector.shape_cast %get3A_125 : vector<16xf32> to vector<16xf32>
    %gt3A_127 = arith.cmpf ogt, %get3A_126, %select_n3A_120 : vector<16xf32>
    %select_n3A_128 = arith.select %gt3A_127, %get3A_126, %select_n3A_120 : vector<16xi1>, vector<16xf32>
    %broadcast_in_dim3A_129 = arith.constant 6 : i32
    %broadcast_in_dim3A_130 = vector.broadcast %broadcast_in_dim3A_129 : i32 to vector<16xi32>
    %select_n3A_131 = arith.select %gt3A_127, %broadcast_in_dim3A_130, %select_n3A_123 : vector<16xi1>, vector<16xi32>
    %get3A_132 = arith.constant 464 : index
    %get3A_133 = tpu.vector_load %arg4[%get3A_132] {strides = array<i32>} : memref<512xf32, #tpu.memory_space<vmem>>, vector<16xf32>,
    %get3A_134 = vector.shape_cast %get3A_133 : vector<16xf32> to vector<16xf32>
    %gt3A_135 = arith.cmpf ogt, %get3A_134, %select_n3A_128 : vector<16xf32>
    %select_n3A_136 = arith.select %gt3A_135, %get3A_134, %select_n3A_128 : vector<16xi1>, vector<16xf32>
    %broadcast_in_dim3A_137 = arith.constant 7 : i32
    %broadcast_in_dim3A_138 = vector.broadcast %broadcast_in_dim3A_137 : i32 to vector<16xi32>
    %select_n3A_139 = arith.select %gt3A_135, %broadcast_in_dim3A_138, %select_n3A_131 : vector<16xi1>, vector<16xi32>
    %swap3A_140 = arith.constant 16 : index
    %swap3A_141 = tpu.vector_load %arg5[%swap3A_140] {strides = array<i32>} : memref<64xi32, #tpu.memory_space<vmem>>, vector<16xi32>,
    %swap3A_142 = vector.shape_cast %swap3A_141 : vector<16xi32> to vector<16xi32>
    %swap3A_143 = vector.shape_cast %select_n3A_139 : vector<16xi32> to vector<16xi32>
    tpu.vector_store %arg5[%swap3A_140], %swap3A_143 {strides = array<i32>} : memref<64xi32, #tpu.memory_space<vmem>>, vector<16xi32>,
    %get3A_144 = arith.constant 32 : index
    %get3A_145 = tpu.vector_load %arg4[%get3A_144] {strides = array<i32>} : memref<512xf32, #tpu.memory_space<vmem>>, vector<16xf32>,
    %get3A_146 = vector.shape_cast %get3A_145 : vector<16xf32> to vector<16xf32>
    %broadcast_in_dim3A_147 = arith.constant 0 : i32
    %broadcast_in_dim3A_148 = vector.broadcast %broadcast_in_dim3A_147 : i32 to vector<16xi32>
    %get3A_149 = arith.constant 96 : index
    %get3A_150 = tpu.vector_load %arg4[%get3A_149] {strides = array<i32>} : memref<512xf32, #tpu.memory_space<vmem>>, vector<16xf32>,
    %get3A_151 = vector.shape_cast %get3A_150 : vector<16xf32> to vector<16xf32>
    %gt3A_152 = arith.cmpf ogt, %get3A_151, %get3A_146 : vector<16xf32>
    %select_n3A_153 = arith.select %gt3A_152, %get3A_151, %get3A_146 : vector<16xi1>, vector<16xf32>
    %broadcast_in_dim3A_154 = arith.constant 1 : i32
    %broadcast_in_dim3A_155 = vector.broadcast %broadcast_in_dim3A_154 : i32 to vector<16xi32>
    %select_n3A_156 = arith.select %gt3A_152, %broadcast_in_dim3A_155, %broadcast_in_dim3A_148 : vector<16xi1>, vector<16xi32>
    %get3A_157 = arith.constant 160 : index
    %get3A_158 = tpu.vector_load %arg4[%get3A_157] {strides = array<i32>} : memref<512xf32, #tpu.memory_space<vmem>>, vector<16xf32>,
    %get3A_159 = vector.shape_cast %get3A_158 : vector<16xf32> to vector<16xf32>
    %gt3A_160 = arith.cmpf ogt, %get3A_159, %select_n3A_153 : vector<16xf32>
    %select_n3A_161 = arith.select %gt3A_160, %get3A_159, %select_n3A_153 : vector<16xi1>, vector<16xf32>
    %broadcast_in_dim3A_162 = arith.constant 2 : i32
    %broadcast_in_dim3A_163 = vector.broadcast %broadcast_in_dim3A_162 : i32 to vector<16xi32>
    %select_n3A_164 = arith.select %gt3A_160, %broadcast_in_dim3A_163, %select_n3A_156 : vector<16xi1>, vector<16xi32>
    %get3A_165 = arith.constant 224 : index
    %get3A_166 = tpu.vector_load %arg4[%get3A_165] {strides = array<i32>} : memref<512xf32, #tpu.memory_space<vmem>>, vector<16xf32>,
    %get3A_167 = vector.shape_cast %get3A_166 : vector<16xf32> to vector<16xf32>
    %gt3A_168 = arith.cmpf ogt, %get3A_167, %select_n3A_161 : vector<16xf32>
    %select_n3A_169 = arith.select %gt3A_168, %get3A_167, %select_n3A_161 : vector<16xi1>, vector<16xf32>
    %broadcast_in_dim3A_170 = arith.constant 3 : i32
    %broadcast_in_dim3A_171 = vector.broadcast %broadcast_in_dim3A_170 : i32 to vector<16xi32>
    %select_n3A_172 = arith.select %gt3A_168, %broadcast_in_dim3A_171, %select_n3A_164 : vector<16xi1>, vector<16xi32>
    %get3A_173 = arith.constant 288 : index
    %get3A_174 = tpu.vector_load %arg4[%get3A_173] {strides = array<i32>} : memref<512xf32, #tpu.memory_space<vmem>>, vector<16xf32>,
    %get3A_175 = vector.shape_cast %get3A_174 : vector<16xf32> to vector<16xf32>
    %gt3A_176 = arith.cmpf ogt, %get3A_175, %select_n3A_169 : vector<16xf32>
    %select_n3A_177 = arith.select %gt3A_176, %get3A_175, %select_n3A_169 : vector<16xi1>, vector<16xf32>
    %broadcast_in_dim3A_178 = arith.constant 4 : i32
    %broadcast_in_dim3A_179 = vector.broadcast %broadcast_in_dim3A_178 : i32 to vector<16xi32>
    %select_n3A_180 = arith.select %gt3A_176, %broadcast_in_dim3A_179, %select_n3A_172 : vector<16xi1>, vector<16xi32>
    %get3A_181 = arith.constant 352 : index
    %get3A_182 = tpu.vector_load %arg4[%get3A_181] {strides = array<i32>} : memref<512xf32, #tpu.memory_space<vmem>>, vector<16xf32>,
    %get3A_183 = vector.shape_cast %get3A_182 : vector<16xf32> to vector<16xf32>
    %gt3A_184 = arith.cmpf ogt, %get3A_183, %select_n3A_177 : vector<16xf32>
    %select_n3A_185 = arith.select %gt3A_184, %get3A_183, %select_n3A_177 : vector<16xi1>, vector<16xf32>
    %broadcast_in_dim3A_186 = arith.constant 5 : i32
    %broadcast_in_dim3A_187 = vector.broadcast %broadcast_in_dim3A_186 : i32 to vector<16xi32>
    %select_n3A_188 = arith.select %gt3A_184, %broadcast_in_dim3A_187, %select_n3A_180 : vector<16xi1>, vector<16xi32>
    %get3A_189 = arith.constant 416 : index
    %get3A_190 = tpu.vector_load %arg4[%get3A_189] {strides = array<i32>} : memref<512xf32, #tpu.memory_space<vmem>>, vector<16xf32>,
    %get3A_191 = vector.shape_cast %get3A_190 : vector<16xf32> to vector<16xf32>
    %gt3A_192 = arith.cmpf ogt, %get3A_191, %select_n3A_185 : vector<16xf32>
    %select_n3A_193 = arith.select %gt3A_192, %get3A_191, %select_n3A_185 : vector<16xi1>, vector<16xf32>
    %broadcast_in_dim3A_194 = arith.constant 6 : i32
    %broadcast_in_dim3A_195 = vector.broadcast %broadcast_in_dim3A_194 : i32 to vector<16xi32>
    %select_n3A_196 = arith.select %gt3A_192, %broadcast_in_dim3A_195, %select_n3A_188 : vector<16xi1>, vector<16xi32>
    %get3A_197 = arith.constant 480 : index
    %get3A_198 = tpu.vector_load %arg4[%get3A_197] {strides = array<i32>} : memref<512xf32, #tpu.memory_space<vmem>>, vector<16xf32>,
    %get3A_199 = vector.shape_cast %get3A_198 : vector<16xf32> to vector<16xf32>
    %gt3A_200 = arith.cmpf ogt, %get3A_199, %select_n3A_193 : vector<16xf32>
    %select_n3A_201 = arith.select %gt3A_200, %get3A_199, %select_n3A_193 : vector<16xi1>, vector<16xf32>
    %broadcast_in_dim3A_202 = arith.constant 7 : i32
    %broadcast_in_dim3A_203 = vector.broadcast %broadcast_in_dim3A_202 : i32 to vector<16xi32>
    %select_n3A_204 = arith.select %gt3A_200, %broadcast_in_dim3A_203, %select_n3A_196 : vector<16xi1>, vector<16xi32>
    %swap3A_205 = arith.constant 32 : index
    %swap3A_206 = tpu.vector_load %arg5[%swap3A_205] {strides = array<i32>} : memref<64xi32, #tpu.memory_space<vmem>>, vector<16xi32>,
    %swap3A_207 = vector.shape_cast %swap3A_206 : vector<16xi32> to vector<16xi32>
    %swap3A_208 = vector.shape_cast %select_n3A_204 : vector<16xi32> to vector<16xi32>
    tpu.vector_store %arg5[%swap3A_205], %swap3A_208 {strides = array<i32>} : memref<64xi32, #tpu.memory_space<vmem>>, vector<16xi32>,
    %get3A_209 = arith.constant 48 : index
    %get3A_210 = tpu.vector_load %arg4[%get3A_209] {strides = array<i32>} : memref<512xf32, #tpu.memory_space<vmem>>, vector<16xf32>,
    %get3A_211 = vector.shape_cast %get3A_210 : vector<16xf32> to vector<16xf32>
    %broadcast_in_dim3A_212 = arith.constant 0 : i32
    %broadcast_in_dim3A_213 = vector.broadcast %broadcast_in_dim3A_212 : i32 to vector<16xi32>
    %get3A_214 = arith.constant 112 : index
    %get3A_215 = tpu.vector_load %arg4[%get3A_214] {strides = array<i32>} : memref<512xf32, #tpu.memory_space<vmem>>, vector<16xf32>,
    %get3A_216 = vector.shape_cast %get3A_215 : vector<16xf32> to vector<16xf32>
    %gt3A_217 = arith.cmpf ogt, %get3A_216, %get3A_211 : vector<16xf32>
    %select_n3A_218 = arith.select %gt3A_217, %get3A_216, %get3A_211 : vector<16xi1>, vector<16xf32>
    %broadcast_in_dim3A_219 = arith.constant 1 : i32
    %broadcast_in_dim3A_220 = vector.broadcast %broadcast_in_dim3A_219 : i32 to vector<16xi32>
    %select_n3A_221 = arith.select %gt3A_217, %broadcast_in_dim3A_220, %broadcast_in_dim3A_213 : vector<16xi1>, vector<16xi32>
    %get3A_222 = arith.constant 176 : index
    %get3A_223 = tpu.vector_load %arg4[%get3A_222] {strides = array<i32>} : memref<512xf32, #tpu.memory_space<vmem>>, vector<16xf32>,
    %get3A_224 = vector.shape_cast %get3A_223 : vector<16xf32> to vector<16xf32>
    %gt3A_225 = arith.cmpf ogt, %get3A_224, %select_n3A_218 : vector<16xf32>
    %select_n3A_226 = arith.select %gt3A_225, %get3A_224, %select_n3A_218 : vector<16xi1>, vector<16xf32>
    %broadcast_in_dim3A_227 = arith.constant 2 : i32
    %broadcast_in_dim3A_228 = vector.broadcast %broadcast_in_dim3A_227 : i32 to vector<16xi32>
    %select_n3A_229 = arith.select %gt3A_225, %broadcast_in_dim3A_228, %select_n3A_221 : vector<16xi1>, vector<16xi32>
    %get3A_230 = arith.constant 240 : index
    %get3A_231 = tpu.vector_load %arg4[%get3A_230] {strides = array<i32>} : memref<512xf32, #tpu.memory_space<vmem>>, vector<16xf32>,
    %get3A_232 = vector.shape_cast %get3A_231 : vector<16xf32> to vector<16xf32>
    %gt3A_233 = arith.cmpf ogt, %get3A_232, %select_n3A_226 : vector<16xf32>
    %select_n3A_234 = arith.select %gt3A_233, %get3A_232, %select_n3A_226 : vector<16xi1>, vector<16xf32>
    %broadcast_in_dim3A_235 = arith.constant 3 : i32
    %broadcast_in_dim3A_236 = vector.broadcast %broadcast_in_dim3A_235 : i32 to vector<16xi32>
    %select_n3A_237 = arith.select %gt3A_233, %broadcast_in_dim3A_236, %select_n3A_229 : vector<16xi1>, vector<16xi32>
    %get3A_238 = arith.constant 304 : index
    %get3A_239 = tpu.vector_load %arg4[%get3A_238] {strides = array<i32>} : memref<512xf32, #tpu.memory_space<vmem>>, vector<16xf32>,
    %get3A_240 = vector.shape_cast %get3A_239 : vector<16xf32> to vector<16xf32>
    %gt3A_241 = arith.cmpf ogt, %get3A_240, %select_n3A_234 : vector<16xf32>
    %select_n3A_242 = arith.select %gt3A_241, %get3A_240, %select_n3A_234 : vector<16xi1>, vector<16xf32>
    %broadcast_in_dim3A_243 = arith.constant 4 : i32
    %broadcast_in_dim3A_244 = vector.broadcast %broadcast_in_dim3A_243 : i32 to vector<16xi32>
    %select_n3A_245 = arith.select %gt3A_241, %broadcast_in_dim3A_244, %select_n3A_237 : vector<16xi1>, vector<16xi32>
    %get3A_246 = arith.constant 368 : index
    %get3A_247 = tpu.vector_load %arg4[%get3A_246] {strides = array<i32>} : memref<512xf32, #tpu.memory_space<vmem>>, vector<16xf32>,
    %get3A_248 = vector.shape_cast %get3A_247 : vector<16xf32> to vector<16xf32>
    %gt3A_249 = arith.cmpf ogt, %get3A_248, %select_n3A_242 : vector<16xf32>
    %select_n3A_250 = arith.select %gt3A_249, %get3A_248, %select_n3A_242 : vector<16xi1>, vector<16xf32>
    %broadcast_in_dim3A_251 = arith.constant 5 : i32
    %broadcast_in_dim3A_252 = vector.broadcast %broadcast_in_dim3A_251 : i32 to vector<16xi32>
    %select_n3A_253 = arith.select %gt3A_249, %broadcast_in_dim3A_252, %select_n3A_245 : vector<16xi1>, vector<16xi32>
    %get3A_254 = arith.constant 432 : index
    %get3A_255 = tpu.vector_load %arg4[%get3A_254] {strides = array<i32>} : memref<512xf32, #tpu.memory_space<vmem>>, vector<16xf32>,
    %get3A_256 = vector.shape_cast %get3A_255 : vector<16xf32> to vector<16xf32>
    %gt3A_257 = arith.cmpf ogt, %get3A_256, %select_n3A_250 : vector<16xf32>
    %select_n3A_258 = arith.select %gt3A_257, %get3A_256, %select_n3A_250 : vector<16xi1>, vector<16xf32>
    %broadcast_in_dim3A_259 = arith.constant 6 : i32
    %broadcast_in_dim3A_260 = vector.broadcast %broadcast_in_dim3A_259 : i32 to vector<16xi32>
    %select_n3A_261 = arith.select %gt3A_257, %broadcast_in_dim3A_260, %select_n3A_253 : vector<16xi1>, vector<16xi32>
    %get3A_262 = arith.constant 496 : index
    %get3A_263 = tpu.vector_load %arg4[%get3A_262] {strides = array<i32>} : memref<512xf32, #tpu.memory_space<vmem>>, vector<16xf32>,
    %get3A_264 = vector.shape_cast %get3A_263 : vector<16xf32> to vector<16xf32>
    %gt3A_265 = arith.cmpf ogt, %get3A_264, %select_n3A_258 : vector<16xf32>
    %select_n3A_266 = arith.select %gt3A_265, %get3A_264, %select_n3A_258 : vector<16xi1>, vector<16xf32>
    %broadcast_in_dim3A_267 = arith.constant 7 : i32
    %broadcast_in_dim3A_268 = vector.broadcast %broadcast_in_dim3A_267 : i32 to vector<16xi32>
    %select_n3A_269 = arith.select %gt3A_265, %broadcast_in_dim3A_268, %select_n3A_261 : vector<16xi1>, vector<16xi32>
    %swap3A_270 = arith.constant 48 : index
    %swap3A_271 = tpu.vector_load %arg5[%swap3A_270] {strides = array<i32>} : memref<64xi32, #tpu.memory_space<vmem>>, vector<16xi32>,
    %swap3A_272 = vector.shape_cast %swap3A_271 : vector<16xi32> to vector<16xi32>
    %swap3A_273 = vector.shape_cast %select_n3A_269 : vector<16xi32> to vector<16xi32>
    tpu.vector_store %arg5[%swap3A_270], %swap3A_273 {strides = array<i32>} : memref<64xi32, #tpu.memory_space<vmem>>, vector<16xi32>,
    "tpu.region"() ({
      %run_scoped3A = tpu.sem_alloc : memref<!tpu.dma_semaphore, #tpu.memory_space<semaphore_mem>>
      %dma_start3A = tpu.memref_slice %arg3[%mul3A_2] : memref<2048xi32, #tpu.memory_space<hbm>> -> memref<64xi32, #tpu.memory_space<hbm>>
      %dma_start3A_274 = tpu.memref_slice %arg3[%mul3A_2] : memref<2048xi32, #tpu.memory_space<hbm>> -> memref<64xi32, #tpu.memory_space<hbm>>
      tpu.enqueue_dma source(%arg5 : memref<64xi32, #tpu.memory_space<vmem>>) target(%dma_start3A_274 : memref<64xi32, #tpu.memory_space<hbm>>) target_semaphore(%run_scoped3A : memref<!tpu.dma_semaphore, #tpu.memory_space<semaphore_mem>>)
      %dma_wait3A = tpu.memref_slice %arg3[%mul3A_2] : memref<2048xi32, #tpu.memory_space<hbm>> -> memref<64xi32, #tpu.memory_space<hbm>>
      %dma_wait3A_275 = tpu.memref_slice %arg3[%mul3A_2] : memref<2048xi32, #tpu.memory_space<hbm>> -> memref<64xi32, #tpu.memory_space<hbm>>
      tpu.wait_dma2 semaphore(%run_scoped3A : memref<!tpu.dma_semaphore, #tpu.memory_space<semaphore_mem>>) src(%arg5 : memref<64xi32, #tpu.memory_space<vmem>>) dst(%dma_wait3A_275 : memref<64xi32, #tpu.memory_space<hbm>>)
      tpu.yield
    }) : () -> ()
    return
  }
}

module attributes {stable_mosaic.version = 14 : i64} {
  func.func @_tc1_kernel(%arg0: i32, %arg1: memref<512x2048xf32, #tpu.memory_space<vmem>>, %arg2: memref<8x2048xf32, #tpu.memory_space<vmem>>, %arg3: memref<128x2048xf32, #tpu.memory_space<vmem>>, %arg4: memref<256x8xf32, #tpu.memory_space<vmem>>, %arg5: memref<1x8xf32, #tpu.memory_space<vmem>>, %arg6: memref<1x256xf32, #tpu.memory_space<vmem>>, %arg7: memref<512x8xf32, #tpu.memory_space<vmem>>, %arg8: memref<8x512xf32, #tpu.memory_space<vmem>>, %arg9: memref<512x128xf32, #tpu.memory_space<vmem>>, %arg10: memref<512x256xf32, #tpu.memory_space<vmem>>) attributes {dimension_semantics = [#tpu.dimension_semantics<arbitrary>], iteration_bounds = array<i64: 4>, scalar_prefetch = 0 : i64, scratch_operands = 0 : i64, tpu.core_type = #tpu.core_type<tc>, window_params = [{transform_indices = @transform_0, window_bounds = array<i64: 512, 2048>}, {pipeline_mode = #tpu.pipeline_mode<synchronous>, transform_indices = @transform_1, window_bounds = array<i64: 8, 2048>}, {pipeline_mode = #tpu.pipeline_mode<synchronous>, transform_indices = @transform_2, window_bounds = array<i64: 128, 2048>}, {pipeline_mode = #tpu.pipeline_mode<synchronous>, transform_indices = @transform_3, window_bounds = array<i64: 256, 8>}, {pipeline_mode = #tpu.pipeline_mode<synchronous>, transform_indices = @transform_4, window_bounds = array<i64: 1, 8>}, {pipeline_mode = #tpu.pipeline_mode<synchronous>, transform_indices = @transform_5, window_bounds = array<i64: 1, 256>}, {transform_indices = @transform_6, window_bounds = array<i64: 512, 8>}, {transform_indices = @transform_7, window_bounds = array<i64: 8, 512>}, {transform_indices = @transform_8, window_bounds = array<i64: 512, 128>}, {transform_indices = @transform_9, window_bounds = array<i64: 512, 256>}]} {
    %get3A = arith.constant 0 : index
    %get3A_0 = arith.constant 0 : index
    %get3A_1 = vector.load %arg1[%get3A, %get3A_0] : memref<512x2048xf32, #tpu.memory_space<vmem>>, vector<512x2048xf32>
    %get3A_2 = arith.constant 0 : index
    %get3A_3 = arith.constant 0 : index
    %get3A_4 = vector.load %arg2[%get3A_2, %get3A_3] : memref<8x2048xf32, #tpu.memory_space<vmem>>, vector<8x2048xf32>
    %dot_general3A = arith.constant dense<0.000000e+00> : vector<512x8xf32>
    %dot_general3A_5 = tpu.matmul %get3A_1, %get3A_4, %dot_general3A {dimension_numbers = #tpu.dot_dimension_numbers<[1], [1], [0], [0], [0, 0, 1, 0], [], []>, transpose_lhs_hint = false} : vector<512x2048xf32>, vector<8x2048xf32>, vector<512x8xf32> -> vector<512x8xf32>
    %get3A_6 = arith.constant 0 : index
    %get3A_7 = arith.constant 0 : index
    %get3A_8 = vector.load %arg5[%get3A_6, %get3A_7] : memref<1x8xf32, #tpu.memory_space<vmem>>, vector<1x8xf32>
    %add3A = vector.broadcast %get3A_8 : vector<1x8xf32> to vector<512x8xf32>
    %add3A_9 = arith.addf %dot_general3A_5, %add3A : vector<512x8xf32>
    %transpose3A = tpu.transpose %add3A_9, [1, 0] : vector<512x8xf32> -> vector<8x512xf32>
    %swap3A = arith.constant 0 : index
    %swap3A_10 = arith.constant 0 : index
    %swap3A_11 = vector.load %arg8[%swap3A, %swap3A_10] : memref<8x512xf32, #tpu.memory_space<vmem>>, vector<8x512xf32>
    tpu.vector_store %arg8[%swap3A, %swap3A_10], %transpose3A {strides = array<i32>} : memref<8x512xf32, #tpu.memory_space<vmem>>, vector<8x512xf32>,
    %get3A_12 = arith.constant 0 : index
    %get3A_13 = arith.constant 0 : index
    %get3A_14 = vector.load %arg3[%get3A_12, %get3A_13] : memref<128x2048xf32, #tpu.memory_space<vmem>>, vector<128x2048xf32>
    %dot_general3A_15 = arith.constant dense<0.000000e+00> : vector<512x128xf32>
    %dot_general3A_16 = tpu.matmul %get3A_1, %get3A_14, %dot_general3A_15 {dimension_numbers = #tpu.dot_dimension_numbers<[1], [1], [0], [0], [0, 0, 1, 0], [], []>, transpose_lhs_hint = false} : vector<512x2048xf32>, vector<128x2048xf32>, vector<512x128xf32> -> vector<512x128xf32>
    %swap3A_17 = arith.constant 0 : index
    %swap3A_18 = arith.constant 0 : index
    %swap3A_19 = vector.load %arg9[%swap3A_17, %swap3A_18] : memref<512x128xf32, #tpu.memory_space<vmem>>, vector<512x128xf32>
    tpu.vector_store %arg9[%swap3A_17, %swap3A_18], %dot_general3A_16 {strides = array<i32>} : memref<512x128xf32, #tpu.memory_space<vmem>>, vector<512x128xf32>,
    %broadcast_in_dim3A = arith.constant 1.000000e+00 : f32
    %broadcast_in_dim3A_20 = vector.broadcast %broadcast_in_dim3A : f32 to vector<1x8xf32>
    %broadcast_in_dim3A_21 = arith.constant 1.000000e+00 : f32
    %broadcast_in_dim3A_22 = vector.broadcast %broadcast_in_dim3A_21 : f32 to vector<8x1xf32>
    %dot_general3A_23 = arith.constant dense<0.000000e+00> : vector<512x1xf32>
    %dot_general3A_24 = tpu.matmul %add3A_9, %broadcast_in_dim3A_20, %dot_general3A_23 {dimension_numbers = #tpu.dot_dimension_numbers<[1], [1], [0], [0], [0, 0, 1, 0], [], []>, transpose_lhs_hint = false} : vector<512x8xf32>, vector<1x8xf32>, vector<512x1xf32> -> vector<512x1xf32>
    %mul3A = arith.constant 1.250000e-01 : f32
    %mul3A_25 = vector.broadcast %mul3A : f32 to vector<512x1xf32>
    %mul3A_26 = arith.mulf %dot_general3A_24, %mul3A_25 : vector<512x1xf32>
    %mul3A_27 = arith.mulf %add3A_9, %add3A_9 : vector<512x8xf32>
    %dot_general3A_28 = arith.constant dense<0.000000e+00> : vector<512x1xf32>
    %dot_general3A_29 = tpu.matmul %mul3A_27, %broadcast_in_dim3A_20, %dot_general3A_28 {dimension_numbers = #tpu.dot_dimension_numbers<[1], [1], [0], [0], [0, 0, 1, 0], [], []>, transpose_lhs_hint = false} : vector<512x8xf32>, vector<1x8xf32>, vector<512x1xf32> -> vector<512x1xf32>
    %mul3A_30 = arith.constant 1.250000e-01 : f32
    %mul3A_31 = vector.broadcast %mul3A_30 : f32 to vector<512x1xf32>
    %mul3A_32 = arith.mulf %dot_general3A_29, %mul3A_31 : vector<512x1xf32>
    %mul3A_33 = arith.mulf %mul3A_26, %mul3A_26 : vector<512x1xf32>
    %sub3A = arith.subf %mul3A_32, %mul3A_33 : vector<512x1xf32>
    %add3A_34 = arith.constant 9.99999974E-6 : f32
    %add3A_35 = vector.broadcast %add3A_34 : f32 to vector<512x1xf32>
    %add3A_36 = arith.addf %sub3A, %add3A_35 : vector<512x1xf32>
    %rsqrt3A = math.rsqrt %add3A_36 : vector<512x1xf32>
    %dot_general3A_37 = arith.constant dense<0.000000e+00> : vector<512x8xf32>
    %dot_general3A_38 = tpu.matmul %rsqrt3A, %broadcast_in_dim3A_22, %dot_general3A_37 {dimension_numbers = #tpu.dot_dimension_numbers<[1], [1], [0], [0], [0, 0, 1, 0], [], []>, transpose_lhs_hint = false} : vector<512x1xf32>, vector<8x1xf32>, vector<512x8xf32> -> vector<512x8xf32>
    %neg3A = arith.constant 0.000000e+00 : f32
    %neg3A_39 = vector.broadcast %neg3A : f32 to vector<512x1xf32>
    %neg3A_40 = arith.subf %neg3A_39, %mul3A_26 : vector<512x1xf32>
    %mul3A_41 = arith.mulf %neg3A_40, %rsqrt3A : vector<512x1xf32>
    %dot_general3A_42 = arith.constant dense<0.000000e+00> : vector<512x8xf32>
    %dot_general3A_43 = tpu.matmul %mul3A_41, %broadcast_in_dim3A_22, %dot_general3A_42 {dimension_numbers = #tpu.dot_dimension_numbers<[1], [1], [0], [0], [0, 0, 1, 0], [], []>, transpose_lhs_hint = false} : vector<512x1xf32>, vector<8x1xf32>, vector<512x8xf32> -> vector<512x8xf32>
    %mul3A_44 = arith.mulf %add3A_9, %dot_general3A_38 : vector<512x8xf32>
    %add3A_45 = arith.addf %mul3A_44, %dot_general3A_43 : vector<512x8xf32>
    %swap3A_46 = arith.constant 0 : index
    %swap3A_47 = arith.constant 0 : index
    %swap3A_48 = vector.load %arg7[%swap3A_46, %swap3A_47] : memref<512x8xf32, #tpu.memory_space<vmem>>, vector<512x8xf32>
    tpu.vector_store %arg7[%swap3A_46, %swap3A_47], %add3A_45 {strides = array<i32>} : memref<512x8xf32, #tpu.memory_space<vmem>>, vector<512x8xf32>,
    %get3A_49 = arith.constant 0 : index
    %get3A_50 = arith.constant 0 : index
    %get3A_51 = vector.load %arg4[%get3A_49, %get3A_50] : memref<256x8xf32, #tpu.memory_space<vmem>>, vector<256x8xf32>
    %dot_general3A_52 = arith.constant dense<0.000000e+00> : vector<512x256xf32>
    %dot_general3A_53 = tpu.matmul %add3A_45, %get3A_51, %dot_general3A_52 {dimension_numbers = #tpu.dot_dimension_numbers<[1], [1], [0], [0], [0, 0, 1, 0], [], []>, transpose_lhs_hint = false} : vector<512x8xf32>, vector<256x8xf32>, vector<512x256xf32> -> vector<512x256xf32>
    %get3A_54 = arith.constant 0 : index
    %get3A_55 = arith.constant 0 : index
    %get3A_56 = vector.load %arg6[%get3A_54, %get3A_55] : memref<1x256xf32, #tpu.memory_space<vmem>>, vector<1x256xf32>
    %add3A_57 = vector.broadcast %get3A_56 : vector<1x256xf32> to vector<512x256xf32>
    %add3A_58 = arith.addf %dot_general3A_53, %add3A_57 : vector<512x256xf32>
    %swap3A_59 = arith.constant 0 : index
    %swap3A_60 = arith.constant 0 : index
    %swap3A_61 = vector.load %arg10[%swap3A_59, %swap3A_60] : memref<512x256xf32, #tpu.memory_space<vmem>>, vector<512x256xf32>
    tpu.vector_store %arg10[%swap3A_59, %swap3A_60], %add3A_58 {strides = array<i32>} : memref<512x256xf32, #tpu.memory_space<vmem>>, vector<512x256xf32>,
    return
  }
  func.func @transform_0(%arg0: i32) -> (i32, i32) {
    %c0_i32 = arith.constant 0 : i32
    %c0_i32_0 = arith.constant 0 : i32
    return %arg0, %c0_i32 : i32, i32
  }
  func.func @transform_1(%arg0: i32) -> (i32, i32) {
    %c0_i32 = arith.constant 0 : i32
    %c0_i32_0 = arith.constant 0 : i32
    %c0_i32_1 = arith.constant 0 : i32
    return %c0_i32, %c0_i32_0 : i32, i32
  }
  func.func @transform_2(%arg0: i32) -> (i32, i32) {
    %c0_i32 = arith.constant 0 : i32
    %c0_i32_0 = arith.constant 0 : i32
    %c0_i32_1 = arith.constant 0 : i32
    return %c0_i32, %c0_i32_0 : i32, i32
  }
  func.func @transform_3(%arg0: i32) -> (i32, i32) {
    %c0_i32 = arith.constant 0 : i32
    %c0_i32_0 = arith.constant 0 : i32
    %c0_i32_1 = arith.constant 0 : i32
    return %c0_i32, %c0_i32_0 : i32, i32
  }
  func.func @transform_4(%arg0: i32) -> (i32, i32) {
    %c0_i32 = arith.constant 0 : i32
    %c0_i32_0 = arith.constant 0 : i32
    %c0_i32_1 = arith.constant 0 : i32
    return %c0_i32, %c0_i32_0 : i32, i32
  }
  func.func @transform_5(%arg0: i32) -> (i32, i32) {
    %c0_i32 = arith.constant 0 : i32
    %c0_i32_0 = arith.constant 0 : i32
    %c0_i32_1 = arith.constant 0 : i32
    return %c0_i32, %c0_i32_0 : i32, i32
  }
  func.func @transform_6(%arg0: i32) -> (i32, i32) {
    %c0_i32 = arith.constant 0 : i32
    %c0_i32_0 = arith.constant 0 : i32
    return %arg0, %c0_i32 : i32, i32
  }
  func.func @transform_7(%arg0: i32) -> (i32, i32) {
    %c0_i32 = arith.constant 0 : i32
    %c0_i32_0 = arith.constant 0 : i32
    return %c0_i32, %arg0 : i32, i32
  }
  func.func @transform_8(%arg0: i32) -> (i32, i32) {
    %c0_i32 = arith.constant 0 : i32
    %c0_i32_0 = arith.constant 0 : i32
    return %arg0, %c0_i32 : i32, i32
  }
  func.func @transform_9(%arg0: i32) -> (i32, i32) {
    %c0_i32 = arith.constant 0 : i32
    %c0_i32_0 = arith.constant 0 : i32
    return %arg0, %c0_i32 : i32, i32
  }
}

module attributes {stable_mosaic.version = 14 : i64} {
  func.func @_tc2_kernel(%arg0: i32, %arg1: memref<512x128xf32, #tpu.memory_space<vmem>>, %arg2: memref<512x1xi32, #tpu.memory_space<vmem>>, %arg3: memref<128x256xf32, #tpu.memory_space<vmem>>, %arg4: memref<8x16xf32, #tpu.memory_space<vmem>>, %arg5: memref<8x256xf32, #tpu.memory_space<vmem>>, %arg6: memref<512x16xf32, #tpu.memory_space<vmem>>, %arg7: memref<512x256xf32, #tpu.memory_space<vmem>>) attributes {dimension_semantics = [#tpu.dimension_semantics<arbitrary>], iteration_bounds = array<i64: 4>, scalar_prefetch = 0 : i64, scratch_operands = 0 : i64, tpu.core_type = #tpu.core_type<tc>, window_params = [{transform_indices = @transform_0, window_bounds = array<i64: 512, 128>}, {transform_indices = @transform_1, window_bounds = array<i64: 512, 1>}, {pipeline_mode = #tpu.pipeline_mode<synchronous>, transform_indices = @transform_2, window_bounds = array<i64: 128, 256>}, {pipeline_mode = #tpu.pipeline_mode<synchronous>, transform_indices = @transform_3, window_bounds = array<i64: 8, 16>}, {pipeline_mode = #tpu.pipeline_mode<synchronous>, transform_indices = @transform_4, window_bounds = array<i64: 8, 256>}, {transform_indices = @transform_5, window_bounds = array<i64: 512, 16>}, {transform_indices = @transform_6, window_bounds = array<i64: 512, 256>}]} {
    %get3A = arith.constant 0 : index
    %get3A_0 = arith.constant 0 : index
    %get3A_1 = vector.load %arg2[%get3A, %get3A_0] : memref<512x1xi32, #tpu.memory_space<vmem>>, vector<512x1xi32>
    %iota3A = tpu.iota {dimensions = array<i32: 1>} : vector<1x8xi32>
    %eq3A = vector.broadcast %get3A_1 : vector<512x1xi32> to vector<512x8xi32>
    %eq3A_2 = vector.broadcast %iota3A : vector<1x8xi32> to vector<512x8xi32>
    %eq3A_3 = arith.cmpi eq, %eq3A, %eq3A_2 : vector<512x8xi32>
    %convert_element_type3A = arith.extui %eq3A_3 : vector<512x8xi1> to vector<512x8xi32>
    %convert_element_type3A_4 = arith.sitofp %convert_element_type3A : vector<512x8xi32> to vector<512x8xf32>
    %iota3A_5 = tpu.iota {dimensions = array<i32: 1>} : vector<1x128xi32>
    %jit3A = arith.constant 16 : i32
    %div3A = vector.broadcast %jit3A : i32 to vector<1x128xi32>
    %div3A_6 = arith.divsi %iota3A_5, %div3A : vector<1x128xi32>
    %sign3A = arith.constant 0 : i32
    %sign3A_7 = vector.broadcast %sign3A : i32 to vector<1x128xi32>
    %sign3A_8 = arith.cmpi sgt, %iota3A_5, %sign3A_7 : vector<1x128xi32>
    %sign3A_9 = arith.extui %sign3A_8 : vector<1x128xi1> to vector<1x128xi32>
    %sign3A_10 = arith.constant 0 : i32
    %sign3A_11 = vector.broadcast %sign3A_10 : i32 to vector<1x128xi32>
    %sign3A_12 = arith.cmpi slt, %iota3A_5, %sign3A_11 : vector<1x128xi32>
    %sign3A_13 = arith.extui %sign3A_12 : vector<1x128xi1> to vector<1x128xi32>
    %sign3A_14 = arith.subi %sign3A_9, %sign3A_13 : vector<1x128xi32>
    %sign3A_15 = arith.constant 0 : i32
    %sign3A_16 = arith.cmpi sgt, %jit3A, %sign3A_15 : i32
    %sign3A_17 = arith.extui %sign3A_16 : i1 to i32
    %sign3A_18 = arith.constant 0 : i32
    %sign3A_19 = arith.cmpi slt, %jit3A, %sign3A_18 : i32
    %sign3A_20 = arith.extui %sign3A_19 : i1 to i32
    %sign3A_21 = arith.subi %sign3A_17, %sign3A_20 : i32
    %ne3A = vector.broadcast %sign3A_21 : i32 to vector<1x128xi32>
    %ne3A_22 = arith.cmpi ne, %sign3A_14, %ne3A : vector<1x128xi32>
    %rem3A = vector.broadcast %jit3A : i32 to vector<1x128xi32>
    %rem3A_23 = arith.remsi %iota3A_5, %rem3A : vector<1x128xi32>
    %ne3A_24 = arith.constant 0 : i32
    %ne3A_25 = vector.broadcast %ne3A_24 : i32 to vector<1x128xi32>
    %ne3A_26 = arith.cmpi ne, %rem3A_23, %ne3A_25 : vector<1x128xi32>
    %and3A = arith.andi %ne3A_22, %ne3A_26 : vector<1x128xi1>
    %sub3A = arith.constant 1 : i32
    %sub3A_27 = vector.broadcast %sub3A : i32 to vector<1x128xi32>
    %sub3A_28 = arith.subi %div3A_6, %sub3A_27 : vector<1x128xi32>
    %select_n3A = arith.select %and3A, %sub3A_28, %div3A_6 : vector<1x128xi1>, vector<1x128xi32>
    %eq3A_29 = vector.broadcast %get3A_1 : vector<512x1xi32> to vector<512x128xi32>
    %eq3A_30 = vector.broadcast %select_n3A : vector<1x128xi32> to vector<512x128xi32>
    %eq3A_31 = arith.cmpi eq, %eq3A_29, %eq3A_30 : vector<512x128xi32>
    %iota3A_32 = tpu.iota {dimensions = array<i32: 0>} : vector<16x128xi32>
    %iota3A_33 = tpu.iota {dimensions = array<i32: 1>} : vector<16x128xi32>
    %jit3A_34 = arith.constant 16 : i32
    %eq3A_35 = arith.constant 0 : i32
    %eq3A_36 = arith.cmpi eq, %jit3A_34, %eq3A_35 : i32
    %jit3A_37 = arith.constant 1 : i32
    %select_n3A_38 = arith.select %eq3A_36, %jit3A_37, %jit3A_34 : i32
    %rem3A_39 = vector.broadcast %select_n3A_38 : i32 to vector<16x128xi32>
    %rem3A_40 = arith.remsi %iota3A_33, %rem3A_39 : vector<16x128xi32>
    %ne3A_41 = arith.constant 0 : i32
    %ne3A_42 = vector.broadcast %ne3A_41 : i32 to vector<16x128xi32>
    %ne3A_43 = arith.cmpi ne, %rem3A_40, %ne3A_42 : vector<16x128xi32>
    %lt3A = arith.constant 0 : i32
    %lt3A_44 = vector.broadcast %lt3A : i32 to vector<16x128xi32>
    %lt3A_45 = arith.cmpi slt, %rem3A_40, %lt3A_44 : vector<16x128xi32>
    %lt3A_46 = arith.constant 0 : i32
    %lt3A_47 = arith.cmpi slt, %select_n3A_38, %lt3A_46 : i32
    %ne3A_48 = vector.broadcast %lt3A_47 : i1 to vector<16x128xi1>
    %ne3A_49 = vector.broadcast %ne3A_48 : vector<16x128xi1> to vector<16x128xi1>
    %ne3A_50 = arith.xori %lt3A_45, %ne3A_49 : vector<16x128xi1>
    %and3A_51 = arith.andi %ne3A_50, %ne3A_43 : vector<16x128xi1>
    %add3A = vector.broadcast %select_n3A_38 : i32 to vector<16x128xi32>
    %add3A_52 = arith.addi %rem3A_40, %add3A : vector<16x128xi32>
    %select_n3A_53 = arith.select %and3A_51, %add3A_52, %rem3A_40 : vector<16x128xi1>, vector<16x128xi32>
    %eq3A_54 = arith.cmpi eq, %select_n3A_53, %iota3A_32 : vector<16x128xi32>
    %convert_element_type3A_55 = arith.extui %eq3A_54 : vector<16x128xi1> to vector<16x128xi32>
    %convert_element_type3A_56 = arith.sitofp %convert_element_type3A_55 : vector<16x128xi32> to vector<16x128xf32>
    %get3A_57 = arith.constant 0 : index
    %get3A_58 = arith.constant 0 : index
    %get3A_59 = vector.load %arg1[%get3A_57, %get3A_58] : memref<512x128xf32, #tpu.memory_space<vmem>>, vector<512x128xf32>
    %jit3A_60 = arith.constant 0.000000e+00 : f32
    %broadcast_in_dim3A = vector.broadcast %jit3A_60 : f32 to vector<512x128xf32>
    %select_n3A_61 = arith.select %eq3A_31, %get3A_59, %broadcast_in_dim3A : vector<512x128xi1>, vector<512x128xf32>
    %dot_general3A = arith.constant dense<0.000000e+00> : vector<512x16xf32>
    %dot_general3A_62 = tpu.matmul %select_n3A_61, %convert_element_type3A_56, %dot_general3A {dimension_numbers = #tpu.dot_dimension_numbers<[1], [1], [0], [0], [0, 0, 1, 0], [], []>, transpose_lhs_hint = false} : vector<512x128xf32>, vector<16x128xf32>, vector<512x16xf32> -> vector<512x16xf32>
    %get3A_63 = arith.constant 0 : index
    %get3A_64 = arith.constant 0 : index
    %get3A_65 = vector.load %arg4[%get3A_63, %get3A_64] : memref<8x16xf32, #tpu.memory_space<vmem>>, vector<8x16xf32>
    %dot_general3A_66 = arith.constant dense<0.000000e+00> : vector<512x16xf32>
    %dot_general3A_67 = tpu.matmul %convert_element_type3A_4, %get3A_65, %dot_general3A_66 {dimension_numbers = #tpu.dot_dimension_numbers<[1], [0], [0], [1], [0, 0, 1, 1], [], []>, transpose_lhs_hint = false} : vector<512x8xf32>, vector<8x16xf32>, vector<512x16xf32> -> vector<512x16xf32>
    %add3A_68 = arith.addf %dot_general3A_62, %dot_general3A_67 : vector<512x16xf32>
    %broadcast_in_dim3A_69 = arith.constant 1.000000e+00 : f32
    %broadcast_in_dim3A_70 = vector.broadcast %broadcast_in_dim3A_69 : f32 to vector<1x16xf32>
    %broadcast_in_dim3A_71 = arith.constant 1.000000e+00 : f32
    %broadcast_in_dim3A_72 = vector.broadcast %broadcast_in_dim3A_71 : f32 to vector<16x1xf32>
    %dot_general3A_73 = arith.constant dense<0.000000e+00> : vector<512x1xf32>
    %dot_general3A_74 = tpu.matmul %add3A_68, %broadcast_in_dim3A_70, %dot_general3A_73 {dimension_numbers = #tpu.dot_dimension_numbers<[1], [1], [0], [0], [0, 0, 1, 0], [], []>, transpose_lhs_hint = false} : vector<512x16xf32>, vector<1x16xf32>, vector<512x1xf32> -> vector<512x1xf32>
    %mul3A = arith.constant 6.250000e-02 : f32
    %mul3A_75 = vector.broadcast %mul3A : f32 to vector<512x1xf32>
    %mul3A_76 = arith.mulf %dot_general3A_74, %mul3A_75 : vector<512x1xf32>
    %mul3A_77 = arith.mulf %add3A_68, %add3A_68 : vector<512x16xf32>
    %dot_general3A_78 = arith.constant dense<0.000000e+00> : vector<512x1xf32>
    %dot_general3A_79 = tpu.matmul %mul3A_77, %broadcast_in_dim3A_70, %dot_general3A_78 {dimension_numbers = #tpu.dot_dimension_numbers<[1], [1], [0], [0], [0, 0, 1, 0], [], []>, transpose_lhs_hint = false} : vector<512x16xf32>, vector<1x16xf32>, vector<512x1xf32> -> vector<512x1xf32>
    %mul3A_80 = arith.constant 6.250000e-02 : f32
    %mul3A_81 = vector.broadcast %mul3A_80 : f32 to vector<512x1xf32>
    %mul3A_82 = arith.mulf %dot_general3A_79, %mul3A_81 : vector<512x1xf32>
    %mul3A_83 = arith.mulf %mul3A_76, %mul3A_76 : vector<512x1xf32>
    %sub3A_84 = arith.subf %mul3A_82, %mul3A_83 : vector<512x1xf32>
    %add3A_85 = arith.constant 9.99999974E-6 : f32
    %add3A_86 = vector.broadcast %add3A_85 : f32 to vector<512x1xf32>
    %add3A_87 = arith.addf %sub3A_84, %add3A_86 : vector<512x1xf32>
    %rsqrt3A = math.rsqrt %add3A_87 : vector<512x1xf32>
    %dot_general3A_88 = arith.constant dense<0.000000e+00> : vector<512x16xf32>
    %dot_general3A_89 = tpu.matmul %rsqrt3A, %broadcast_in_dim3A_72, %dot_general3A_88 {dimension_numbers = #tpu.dot_dimension_numbers<[1], [1], [0], [0], [0, 0, 1, 0], [], []>, transpose_lhs_hint = false} : vector<512x1xf32>, vector<16x1xf32>, vector<512x16xf32> -> vector<512x16xf32>
    %neg3A = arith.constant 0.000000e+00 : f32
    %neg3A_90 = vector.broadcast %neg3A : f32 to vector<512x1xf32>
    %neg3A_91 = arith.subf %neg3A_90, %mul3A_76 : vector<512x1xf32>
    %mul3A_92 = arith.mulf %neg3A_91, %rsqrt3A : vector<512x1xf32>
    %dot_general3A_93 = arith.constant dense<0.000000e+00> : vector<512x16xf32>
    %dot_general3A_94 = tpu.matmul %mul3A_92, %broadcast_in_dim3A_72, %dot_general3A_93 {dimension_numbers = #tpu.dot_dimension_numbers<[1], [1], [0], [0], [0, 0, 1, 0], [], []>, transpose_lhs_hint = false} : vector<512x1xf32>, vector<16x1xf32>, vector<512x16xf32> -> vector<512x16xf32>
    %mul3A_95 = arith.mulf %add3A_68, %dot_general3A_89 : vector<512x16xf32>
    %add3A_96 = arith.addf %mul3A_95, %dot_general3A_94 : vector<512x16xf32>
    %swap3A = arith.constant 0 : index
    %swap3A_97 = arith.constant 0 : index
    %swap3A_98 = vector.load %arg6[%swap3A, %swap3A_97] : memref<512x16xf32, #tpu.memory_space<vmem>>, vector<512x16xf32>
    tpu.vector_store %arg6[%swap3A, %swap3A_97], %add3A_96 {strides = array<i32>} : memref<512x16xf32, #tpu.memory_space<vmem>>, vector<512x16xf32>,
    %transpose3A = tpu.transpose %convert_element_type3A_56, [1, 0] : vector<16x128xf32> -> vector<128x16xf32>
    %dot_general3A_99 = arith.constant dense<0.000000e+00> : vector<512x128xf32>
    %dot_general3A_100 = tpu.matmul %add3A_96, %transpose3A, %dot_general3A_99 {dimension_numbers = #tpu.dot_dimension_numbers<[1], [1], [0], [0], [0, 0, 1, 0], [], []>, transpose_lhs_hint = false} : vector<512x16xf32>, vector<128x16xf32>, vector<512x128xf32> -> vector<512x128xf32>
    %jit3A_101 = arith.constant 0.000000e+00 : f32
    %broadcast_in_dim3A_102 = vector.broadcast %jit3A_101 : f32 to vector<512x128xf32>
    %select_n3A_103 = arith.select %eq3A_31, %dot_general3A_100, %broadcast_in_dim3A_102 : vector<512x128xi1>, vector<512x128xf32>
    %get3A_104 = arith.constant 0 : index
    %get3A_105 = arith.constant 0 : index
    %get3A_106 = vector.load %arg3[%get3A_104, %get3A_105] : memref<128x256xf32, #tpu.memory_space<vmem>>, vector<128x256xf32>
    %dot_general3A_107 = arith.constant dense<0.000000e+00> : vector<512x256xf32>
    %dot_general3A_108 = tpu.matmul %select_n3A_103, %get3A_106, %dot_general3A_107 {dimension_numbers = #tpu.dot_dimension_numbers<[1], [0], [0], [1], [0, 0, 1, 1], [], []>, transpose_lhs_hint = false} : vector<512x128xf32>, vector<128x256xf32>, vector<512x256xf32> -> vector<512x256xf32>
    %get3A_109 = arith.constant 0 : index
    %get3A_110 = arith.constant 0 : index
    %get3A_111 = vector.load %arg5[%get3A_109, %get3A_110] : memref<8x256xf32, #tpu.memory_space<vmem>>, vector<8x256xf32>
    %dot_general3A_112 = arith.constant dense<0.000000e+00> : vector<512x256xf32>
    %dot_general3A_113 = tpu.matmul %convert_element_type3A_4, %get3A_111, %dot_general3A_112 {dimension_numbers = #tpu.dot_dimension_numbers<[1], [0], [0], [1], [0, 0, 1, 1], [], []>, transpose_lhs_hint = false} : vector<512x8xf32>, vector<8x256xf32>, vector<512x256xf32> -> vector<512x256xf32>
    %add3A_114 = arith.addf %dot_general3A_108, %dot_general3A_113 : vector<512x256xf32>
    %swap3A_115 = arith.constant 0 : index
    %swap3A_116 = arith.constant 0 : index
    %swap3A_117 = vector.load %arg7[%swap3A_115, %swap3A_116] : memref<512x256xf32, #tpu.memory_space<vmem>>, vector<512x256xf32>
    tpu.vector_store %arg7[%swap3A_115, %swap3A_116], %add3A_114 {strides = array<i32>} : memref<512x256xf32, #tpu.memory_space<vmem>>, vector<512x256xf32>,
    return
  }
  func.func @transform_0(%arg0: i32) -> (i32, i32) {
    %c0_i32 = arith.constant 0 : i32
    %c0_i32_0 = arith.constant 0 : i32
    return %arg0, %c0_i32 : i32, i32
  }
  func.func @transform_1(%arg0: i32) -> (i32, i32) {
    %c0_i32 = arith.constant 0 : i32
    %c0_i32_0 = arith.constant 0 : i32
    return %arg0, %c0_i32 : i32, i32
  }
  func.func @transform_2(%arg0: i32) -> (i32, i32) {
    %c0_i32 = arith.constant 0 : i32
    %c0_i32_0 = arith.constant 0 : i32
    %c0_i32_1 = arith.constant 0 : i32
    return %c0_i32, %c0_i32_0 : i32, i32
  }
  func.func @transform_3(%arg0: i32) -> (i32, i32) {
    %c0_i32 = arith.constant 0 : i32
    %c0_i32_0 = arith.constant 0 : i32
    %c0_i32_1 = arith.constant 0 : i32
    return %c0_i32, %c0_i32_0 : i32, i32
  }
  func.func @transform_4(%arg0: i32) -> (i32, i32) {
    %c0_i32 = arith.constant 0 : i32
    %c0_i32_0 = arith.constant 0 : i32
    %c0_i32_1 = arith.constant 0 : i32
    return %c0_i32, %c0_i32_0 : i32, i32
  }
  func.func @transform_5(%arg0: i32) -> (i32, i32) {
    %c0_i32 = arith.constant 0 : i32
    %c0_i32_0 = arith.constant 0 : i32
    return %arg0, %c0_i32 : i32, i32
  }
  func.func @transform_6(%arg0: i32) -> (i32, i32) {
    %c0_i32 = arith.constant 0 : i32
    %c0_i32_0 = arith.constant 0 : i32
    return %arg0, %c0_i32 : i32, i32
  }
}

</mosaic_0001>

<sc_bundles>
// kernel: kernel.5.cloned.1.call-start
scs
__scs_entry_jumppad:
0x0: {  	(pc) =	sbr.rel $0x88, $3  }
0x1: {  	(tag) =	ssettag $0x0;
	lr =	simm.s32 $0x1  }
0x2: {  	[smem:$0x3F98] =	sst lr;
	_ =	strace $0xD0000000  }
0x3: {  	_ = 	snop  }
0x4: {  	_ = 	snop  }
0x5: {  	_ = 	snop  }
0x6: {  	_ = 	snop  }
0x7: {  	_ = 	snop  }
__scs_overlays_trampoline_lowered:
0x8: {  	[smem:$0x3FA7] =	sst s0  }
0x9: {  	[smem:$0x3FA8] =	sst s1  }
0xa: {  	[smem:$0x3FA9] =	sst s2  }
0xb: {  	[smem:$0x3FAA] =	sst s3  }
0xc: {  	[smem:$0x3FAB] =	sst s4  }
0xd: {  	[smem:$0x3FAC] =	sst s5  }
0xe: {  	[smem:$0x3FAD] =	sst s6  }
0xf: {  	[smem:$0x3FAE] =	sst s7  }
0x10: {  	[smem:$0x3FAF] =	sst s8  }
0x11: {  	[smem:$0x3FB0] =	sst s9;
	s0 =	simm.s32 @!p0 $0x0  }
0x12: {  	s1 =	sld [smem:$0x3F96];
	s0 =	simm.s32 @p0 $0x1  }
0x13: {  	[smem:$0x3FB1] =	sst s0;
	s0 =	simm.s32 @!p1 $0x0  }
0x14: {  	s2 =	sld [smem:$0x3F95];
	s0 =	simm.s32 @p1 $0x1  }
0x15: {  	[smem:$0x3FB2] =	sst s0;
	s0 =	simm.s32 @!p2 $0x0  }
0x16: {  	s3 =	sld [smem:$0x3FDB];
	s0 =	simm.s32 @p2 $0x1  }
0x17: {  	s4 =	simm.s32 $0x1BF5;
	[smem:$0x3FB4] =	sst s0  }
0x18: {  	s0 =	sld [smem:$0x3F97];
	_ =	swait.ge [sflag:s4], $0x0  }
0x19: {  	s7 =	sld [smem:$0x3F98]  }
0x1a: {  	s8 =	sadd.s32 $0xFFFFE003, lr  }
0x1b: {  	s9 =	sadd.s32 $0xFFFFFEF7, lr;
	s5 =	simm.s32 $0xFFFFFFFF;
	p2 =	slt.u32 s8, $0xFFFFF086  }
0x1c: {  	p1 =	slt.u32 s9, $0xF7A;
	s5 =	simm.s32 @!p2 $0x0  }
0x1d: {  	s5 =	simm.s32 @p1 $0x1;
	p0 =	seq.s32 s7, s2  }
0x1e: {  	s7 =	smul.u32 @!p0 $0xF7A, s2;
	p2 =	seq.s32 @!p0 s5, $0x0  }
0x1f: {  	s9 =	smul.u32 $0xF7A, s1;
	s8 =	simm.s32 @!p0 $0x1BF5;
	p2 =	por !p2, p0  }
0x20: {  	[sflag:s8] =	ssyncset.s32 @!p0 $0xFFFFF086;
	s6 =	sadd.s32 @!p0 s3, s7;
	s7 =	simm.s32 @!p0 $0x108  }
0x21: {  	s3 =	sadd.s32 s3, s9;
	s6 =	sadd.s32 @!p0 $0x88, s6;
	s7 =	simm.s32 @p2 $0x1082  }
0x22: {  	[simem:s7], [sflag:s8] =	dma.local @!p0 [hbm:s6], $0xF7A  }
0x23: {  	s9 =	sor.u32 $0xD0000000, s2;
	s6 =	simm.s32 $0x108;
	_ =	swait.ge @!p0 [sflag:s8], $0x0  }
0x24: {  	s3 =	sadd.s32 $0x88, s3;
	s6 =	simm.s32 @!p1 $0x1082;
	[sflag:s4] =	ssyncset.s32 $0xFFFFF086  }
0x25: {  	[simem:s6], [sflag:s4] =	dma.local [hbm:s3], $0xF7A  }
0x26: {  	[smem:$0x3F98] =	sst s1;
	(tag) =	ssettag s2;
	_ =	strace s9  }
0x27: {  	s1 =	sld [smem:$0x3FA8]  }
0x28: {  	s2 =	sld [smem:$0x3FA9]  }
0x29: {  	s4 =	sld [smem:$0x3FAB]  }
0x2a: {  	p0 =	seq.s32 s5, $0x0;
	s5 =	sld [smem:$0x3FAC]  }
0x2b: {  	s6 =	sld [smem:$0x3FAD]  }
0x2c: {  	s7 =	sld [smem:$0x3FAE]  }
0x2d: {  	s3 =	simm.s32 $0x108;
	s8 =	sld [smem:$0x3FAF]  }
0x2e: {  	s3 =	simm.s32 @!p0 $0x1082;
	s9 =	sld [smem:$0x3FB0]  }
0x2f: {  	lr =	sadd.s32 s0, s3;
	s0 =	sld [smem:$0x3FA7]  }
0x30: {  	s3 =	sld [smem:$0x3FAA]  }
0x31: {  	[smem:$0x3FB3] =	sst s10  }
0x32: {  	s10 =	sld [smem:$0x3FB1];
	_ =	sdelay $0x3  }
0x33: {  	p0 =	seq.s32 s10, $0x1;
	s10 =	sld [smem:$0x3FB3];
	_ =	sdelay $0x3  }
0x34: {  	[smem:$0x3FB3] =	sst s10  }
0x35: {  	s10 =	sld [smem:$0x3FB2];
	_ =	sdelay $0x3  }
0x36: {  	p1 =	seq.s32 s10, $0x1;
	s10 =	sld [smem:$0x3FB3];
	_ =	sdelay $0x3  }
0x37: {  	[smem:$0x3FB3] =	sst s10  }
0x38: {  	s10 =	sld [smem:$0x3FB4]  }
0x39: {  	_ = 	snop;
	(pc) =	sbr.ind lr, $3  }
0x3a: {  	_ = 	snop  }
0x3b: {  	_ = 	snop  }
0x3c: {  	p2 =	seq.s32 s10, $0x1;
	s10 =	sld [smem:$0x3FB3]  }
0x3d: {  	_ =	shalt  }
0x3e: {  	_ =	shalt  }
0x3f: {  	_ =	shalt  }
0x40: {  	_ =	shalt  }
0x41: {  	_ =	shalt  }
0x42: {  	_ =	shalt  }
0x43: {  	_ =	shalt  }
0x44: {  	_ =	shalt  }
0x45: {  	_ =	shalt  }
0x46: {  	_ =	shalt  }
0x47: {  	_ =	shalt  }
0x48: {  	_ =	shalt  }
0x49: {  	_ =	shalt  }
0x4a: {  	_ =	shalt  }
0x4b: {  	_ =	shalt  }
0x4c: {  	_ =	shalt  }
0x4d: {  	_ =	shalt  }
0x4e: {  	_ =	shalt  }
0x4f: {  	_ =	shalt  }
0x50: {  	_ =	shalt  }
0x51: {  	_ =	shalt  }
0x52: {  	_ =	shalt  }
0x53: {  	_ =	shalt  }
0x54: {  	_ =	shalt  }
0x55: {  	_ =	shalt  }
0x56: {  	_ =	shalt  }
0x57: {  	_ =	shalt  }
0x58: {  	_ =	shalt  }
0x59: {  	_ =	shalt  }
0x5a: {  	_ =	shalt  }
0x5b: {  	_ =	shalt  }
0x5c: {  	_ =	shalt  }
0x5d: {  	_ =	shalt  }
0x5e: {  	_ =	shalt  }
0x5f: {  	_ =	shalt  }
0x60: {  	_ =	shalt  }
0x61: {  	_ =	shalt  }
0x62: {  	_ =	shalt  }
0x63: {  	_ =	shalt  }
0x64: {  	_ =	shalt  }
0x65: {  	_ =	shalt  }
0x66: {  	_ =	shalt  }
0x67: {  	_ =	shalt  }
0x68: {  	_ =	shalt  }
0x69: {  	_ =	shalt  }
0x6a: {  	_ =	shalt  }
0x6b: {  	_ =	shalt  }
0x6c: {  	_ =	shalt  }
0x6d: {  	_ =	shalt  }
0x6e: {  	_ =	shalt  }
0x6f: {  	_ =	shalt  }
0x70: {  	_ =	shalt  }
0x71: {  	_ =	shalt  }
0x72: {  	_ =	shalt  }
0x73: {  	_ =	shalt  }
0x74: {  	_ =	shalt  }
0x75: {  	_ =	shalt  }
0x76: {  	_ =	shalt  }
0x77: {  	_ =	shalt  }
0x78: {  	_ =	shalt  }
0x79: {  	_ =	shalt  }
0x7a: {  	_ =	shalt  }
0x7b: {  	_ =	shalt  }
0x7c: {  	_ =	shalt  }
0x7d: {  	_ =	shalt  }
0x7e: {  	_ =	shalt  }
0x7f: {  	_ =	shalt  }
0x80: {  	_ =	shalt  }
0x81: {  	_ =	shalt  }
0x82: {  	_ =	shalt  }
0x83: {  	_ =	shalt  }
0x84: {  	_ =	shalt  }
0x85: {  	_ =	shalt  }
0x86: {  	_ =	shalt  }
0x87: {  	_ =	shalt  }
.Lfunc_end0:
.L_simem_size_0:
called_computation_lowered:
.L_overlay_start_0:
0x88: {  	s2 =	sld [smem:$0x3FD9]  }
0x89: {  	s3 =	sld [smem:$0x3FFE];
	_ =	sdelay $0x1  }
0x8a: {  	s1 =	srdreg.scid  }
0x8b: {  	s0 =	sand.u32 $0x1, s1  }
0x8c: {  	s15 =	sshll.u32 s0, $0xA;
	s2 =	sadd.s32 s3, s2  }
0x8d: {  	s2 =	sadd.s32 s2, s15  }
0x8e: {  	[smem:$0x3FBF] =	sst s2  }
0x8f: {  	_ = 	snop  }
0x90: {  	s2 =	sld [smem:$0x3FD0];
	_ =	sdelay $0x2  }
0x91: {  	s16 =	simm.s32 $0xA;
	s4 =	simm.s32 $0x10  }
0x92: {  	[smem:s4], [sflag:s16] =	dma.local [hbm:s2], $0x1  }
0x93: {  	_ =	swait.eq [sflag:s16], $0x1  }
0x94: {  	[sflag:s16] =	ssyncset.done $0x0  }
0x95: {  	s17 =	sld [smem:$0x11];
	[sflag:s16] =	ssyncadd.s32 $0xFFFFFFFF  }
0x96: {  	s18 =	sld [smem:$0x13];
	(tm) =	ssettm $0x1  }
0x97: {  	s19 =	sld [smem:$0x3FFB];
	_ =	sdelay $0x3  }
0x98: {  	_ =	strace s19  }
0x99: {  	s4 =	sld [smem:$0x3FFC];
	_ =	sdelay $0x3  }
0x9a: {  	_ =	strace s4  }
0x9b: {  	s4 =	sld [smem:$0x3FFD];
	_ =	sdelay $0x3  }
0x9c: {  	_ =	strace s4  }
0x9d: {  	_ =	strace $0x8FFFFFFF  }
0x9e: {  	s20 =	sld [smem:$0x3FDB];
	_ =	sdelay $0x1  }
0x9f: {  	s5 =	simm.s32 $_scs_section_size  }
0xa0: {  	s6 =	simm.s32 $_size__tile_overlayer_lowered;
	s7 =	simm.s32 $_tile_overlayer_lowered  }
0xa1: {  	s23 =	simm.s32 $0x1BFF;
	s22 =	sshll.u32 s7, $0x1;
	s4 =	sadd.s32 s5, s20  }
0xa2: {  	s8 =	simm.s32 $0x0;
	s21 =	sshll.u32 s6, $0x1;
	s6 =	sadd.s32 s22, s4  }
0xa3: {  	[timem:s8], [sflag:s23] =	dma.local [hbm:s6], s21  }
0xa4: {  	_ =	swait.ge [sflag:s23], s21  }
0xa5: {  	s5 =	ssub.s32 $0x0, s21;
	[sflag:s23] =	ssyncset.done $0x0  }
0xa6: {  	[sflag:s23] =	ssyncadd.s32 s5;
	_ =	sdelay $0x1  }
0xa7: {  	s24 =	simm.s32 $0x1B8B  }
0xa8: {  	_ =	swait.ge [sflag:s24], $0x1  }
0xa9: {  	[sflag:s24] =	ssyncset.done $0x0  }
0xaa: {  	s25 =	simm.s32 $0x1B8E;
	[sflag:s24] =	ssyncadd.s32 $0xFFFFFFFF  }
0xab: {  	s26 =	simm.s32 $execute0_lowered;
	[smem:$0x3FD2] =	sst s25  }
0xac: {  	s5 =	sshll.u32 s26, $0x1;
	_ =	strace $0x80000046;
	[dreg:$0x1] =	wrdreg $0xFFFFFFFF  }
0xad: {  	s28 =	simm.s32 $_size_execute0_lowered;
	s4 =	sadd.s32 s4, s5;
	[dreg:$0x0] =	wrdreg $0x0  }
0xae: {  	s5 =	sshll.u32 s28, $0x1;
	[dreg:$0x2] =	wrdreg s4  }
0xaf: {  	[dreg:$0x3] =	wrdreg s5  }
0xb0: {  	[dreg:$0x4] =	wrdreg $0xC0  }
0xb1: {  	_ =	task [dreg:s8], $0x5FFFF  }
0xb2: {  	[dreg:$0x1] =	wrdreg $0xFFFFFFFF  }
0xb3: {  	[dreg:$0x0] =	wrdreg $0x60  }
0xb4: {  	[dreg:$0x2] =	wrdreg s17  }
0xb5: {  	[dreg:$0x3] =	wrdreg s18  }
0xb6: {  	[dreg:$0x4] =	wrdreg $0x9  }
0xb7: {  	_ =	task.clear_ibuf [dreg:s8], $0x5FFFF;
	_ =	strace $0x90000046  }
0xb8: {  	s29 =	simm.s32 $0x9;
	_ =	strace $0x80000048  }
0xb9: {  	_ =	swait.ge [sflag:s29], $0x1  }
0xba: {  	[sflag:s29] =	ssyncadd.s32 $0xFFFFFFFF  }
0xbb: {  	_ =	strace $0x90000048  }
0xbc: {  	_ =	sfence  }
0xbd: {  	s30 =	sld [smem:$0x0];
	_ =	sdelay $0x2  }
0xbe: {  	s31 =	sshll.u32 s1, $0xD;
	s1 =	sshrl.u32 s1, $0x2  }
0xbf: {  	s3 =	sand.u32 $0x4000, s31;
	s1 =	sadd.s32 s1, s30  }
0xc0: {  	s0 =	sor.u32 s3, s0;
	s1 =	sshll.u32 s1, $0x11  }
0xc1: {  	s0 =	sor.u32 s1, s0  }
0xc2: {  	s0 =	sadd.s32 $0x8F2B, s0  }
0xc3: {  	[sflag:s0] =	ssyncadd.remote.s32 $0x1  }
0xc4: {  	_ =	sfence.sel $0xFFFF  }
0xc5: {  	[dreg:$0x0] =	wrdreg $0xFFFFFFFF;
	(pc) =	sbr.abs _section_cstart, $3  }
0xc6: {  	[dreg:$0x1] =	wrdreg $0xFFFFFFFF  }
0xc7: {  	_ =	task.clear_ibuf [dreg:s8], $0x2FFFF;
	_ =	strace $0x9FFFFFFF  }
0xc8: {  	(tm) =	ssettm $0x7FFFFFFF  }
0xc9: {  	_ =	shalt  }
tec
execute0_lowered:
.L_overlay_start_1:
0x0: {  	(tag) =	ssettag $0x1  }
0x1: {  	s3 =	rddreg [dreg:$0x0]  }
0x2: {  	s4 =	rddreg [dreg:$0x1];
	s2 =	srdreg.scid  }
0x3: {  	s0 =	rddreg [dreg:$0x2];
	s1 =	stileid.u32;
	s21 =	sand.u32 $0x1, s2  }
0x4: {  	s2 =	simm.s32 $0x0;
	s5 =	sshll.u32 s1, $0x4;
	s6 =	sshll.u32 s21, $0x3  }
0x5: {  	[smem:$0x7FF] =	sst s2;
	s5 =	sor.u32 s6, s5  }
0x6: {  	_ =	strace $0x80000047;
	s6 =	sadd.s32 s3, s5;
	s3 =	simm.s32 $0x1  }
0x7: {  	[tilespmem:s2], [sflag:$0x1] =	stream.linear.gather [hbm4b:s6+s2], $0x40, $0x38;
	[tilespmem:$0x280] =	vst v63  }
0x8: {  	_ =	swait.ge [sflag:s3], $0x40  }
0x9: {  	[sflag:s3] =	ssyncset.done $0x0  }
0xa: {  	s8 =	simm.s32 $0x40;
	s7 =	sadd.s32 $0x100, s6;
	[sflag:s3] =	ssyncadd.s32 $0xFFFFFFC0  }
0xb: {  	[tilespmem:s8], [sflag:$0x1] =	stream.linear.gather [hbm4b:s7+s2], $0x40, $0x38;
	[tilespmem:$0x280] =	vst v63  }
0xc: {  	_ =	swait.ge [sflag:s3], $0x40  }
0xd: {  	[sflag:s3] =	ssyncset.done $0x0  }
0xe: {  	s10 =	simm.s32 $0x80;
	s9 =	sadd.s32 $0x200, s6;
	[sflag:s3] =	ssyncadd.s32 $0xFFFFFFC0  }
0xf: {  	[tilespmem:s10], [sflag:$0x1] =	stream.linear.gather [hbm4b:s9+s2], $0x40, $0x38;
	[tilespmem:$0x280] =	vst v63  }
0x10: {  	_ =	swait.ge [sflag:s3], $0x40  }
0x11: {  	[sflag:s3] =	ssyncset.done $0x0  }
0x12: {  	s12 =	simm.s32 $0xC0;
	s11 =	sadd.s32 $0x300, s6;
	[sflag:s3] =	ssyncadd.s32 $0xFFFFFFC0  }
0x13: {  	[tilespmem:s12], [sflag:$0x1] =	stream.linear.gather [hbm4b:s11+s2], $0x40, $0x38;
	[tilespmem:$0x280] =	vst v63  }
0x14: {  	_ =	swait.ge [sflag:s3], $0x40  }
0x15: {  	[sflag:s3] =	ssyncset.done $0x0  }
0x16: {  	s14 =	simm.s32 $0x100;
	s13 =	sadd.s32 $0x400, s6;
	[sflag:s3] =	ssyncadd.s32 $0xFFFFFFC0  }
0x17: {  	[tilespmem:s14], [sflag:$0x1] =	stream.linear.gather [hbm4b:s13+s2], $0x40, $0x38;
	[tilespmem:$0x280] =	vst v63  }
0x18: {  	_ =	swait.ge [sflag:s3], $0x40  }
0x19: {  	[sflag:s3] =	ssyncset.done $0x0  }
0x1a: {  	s16 =	simm.s32 $0x140;
	s15 =	sadd.s32 $0x500, s6;
	[sflag:s3] =	ssyncadd.s32 $0xFFFFFFC0  }
0x1b: {  	[tilespmem:s16], [sflag:$0x1] =	stream.linear.gather [hbm4b:s15+s2], $0x40, $0x38;
	[tilespmem:$0x280] =	vst v63  }
0x1c: {  	_ =	swait.ge [sflag:s3], $0x40  }
0x1d: {  	[sflag:s3] =	ssyncset.done $0x0  }
0x1e: {  	s18 =	simm.s32 $0x180;
	s17 =	sadd.s32 $0x600, s6;
	[sflag:s3] =	ssyncadd.s32 $0xFFFFFFC0  }
0x1f: {  	[tilespmem:s18], [sflag:$0x1] =	stream.linear.gather [hbm4b:s17+s2], $0x40, $0x38;
	[tilespmem:$0x280] =	vst v63  }
0x20: {  	_ =	swait.ge [sflag:s3], $0x40  }
0x21: {  	[sflag:s3] =	ssyncset.done $0x0  }
0x22: {  	s20 =	simm.s32 $0x1C0;
	s19 =	sadd.s32 $0x700, s6;
	[sflag:s3] =	ssyncadd.s32 $0xFFFFFFC0  }
0x23: {  	[tilespmem:s20], [sflag:$0x1] =	stream.linear.gather [hbm4b:s19+s2], $0x40, $0x38;
	[tilespmem:$0x280] =	vst v63  }
0x24: {  	_ =	swait.ge [sflag:s3], $0x40  }
0x25: {  	[sflag:s3] =	ssyncset.done $0x0  }
0x26: {  	[sflag:s3] =	ssyncadd.s32 $0xFFFFFFC0  }
0x27: {  	v2 =	vld [tilespmem:$0x90]  }
0x28: {  	v0 =	vld [tilespmem:$0x50]  }
0x29: {  	v5 =	vld [tilespmem:$0x70]  }
0x2a: {  	s21 =	ssub.s32 $0x2, s21;
	v7 =	vld [tilespmem:$0x10]  }
0x2b: {  	s22 =	sshrl.u32 s21, $0x1;
	v3 =	vld [tilespmem:$0x0]  }
0x2c: {  	s21 =	ssub.s32 s21, s22;
	v10 =	vld [tilespmem:$0x30]  }
0x2d: {  	s21 =	smax.u32 s21, $0x1;
	v4 =	vld [tilespmem:$0x40]  }
0x2e: {  	p0 =	sne.s32 s21, $0x1;
	v6 =	vld [tilespmem:$0x20]  }
.Ltmp0:
0x2f: {  	v9 =	vld [tilespmem:$0x60];
	(pc) =	sbr.rel @!p0 .LBB2_2-.Ltmp0, $4  }
0x30: {  	vm0 =	vgt.f32 v0, v7  }
0x31: {  	v8 =	vld [tilespmem:$0xA0];
	v7 =	vsel vm0, v0, v7  }
0x32: {  	v1 =	vld [tilespmem:$0xD0];
	vm1 =	vgt.f32 v5, v10;
	vm2 =	vgt.f32 v4, v3;
	vm3 =	vgt.f32 v2, v7  }
0x33: {  	s4 =	sadd.s32 s4, s5;
	s5 =	simm.s32 $0x200;
	s21 =	sadd.s32 $0xFFFFFFFF, s21;
	v0 =	vimm.s32 $0x0;
	v5 =	vsel vm1, v5, v10;
	v2 =	vsel vm3, v2, v7;
	v7 =	vld [tilespmem:$0xE0]  }
.LBB2_1:
0x34: {  	p0 =	sne.s32 s21, $0x1;
	s21 =	sadd.s32 $0xFFFFFFFF, s21;
	vm4 =	vgt.f32 v9, v6;
	v10 =	vld [tilespmem:$0xB0]  }
0x35: {  	v11 =	vld [tilespmem:$0x80];
	v6 =	vsel vm4, v9, v6  }
0x36: {  	v9 =	vsel vm4, $0x1, v0;
	vm4 =	vgt.f32 v8, v6;
	v12 =	vld [tilespmem:$0x120]  }
0x37: {  	v14 =	vsel vm0, $0x1, v0;
	v13 =	vld [tilespmem:$0xC0];
	v6 =	vsel vm4, v8, v6;
	v8 =	vsel vm4, $0x2, v9  }
0x38: {  	v15 =	vsel vm1, $0x1, v0;
	v9 =	vsel vm3, $0x2, v14;
	vm0 =	vgt.f32 v7, v6;
	v14 =	vld [tilespmem:$0x160]  }
0x39: {  	v3 =	vsel vm2, v4, v3;
	v4 =	vsel vm2, $0x1, v0;
	v16 =	vld [tilespmem:$0x100];
	v6 =	vsel vm0, v7, v6  }
0x3a: {  	v7 =	vsel vm0, $0x3, v8;
	vm0 =	vgt.f32 v10, v5;
	vm1 =	vgt.f32 v11, v3;
	v8 =	vld [tilespmem:$0x1A0]  }
0x3b: {  	v3 =	vsel vm1, v11, v3;
	v4 =	vsel vm1, $0x2, v4;
	v11 =	vld [tilespmem:$0x140];
	vm1 =	vgt.f32 v12, v6  }
0x3c: {  	v5 =	vsel vm0, v10, v5;
	vm2 =	vgt.f32 v13, v3;
	v17 =	vld [tilespmem:$0x110];
	v7 =	vsel vm1, $0x4, v7  }
0x3d: {  	v6 =	vsel vm1, v12, v6;
	v3 =	vsel vm2, v13, v3;
	v4 =	vsel vm2, $0x3, v4;
	v10 =	vld [tilespmem:$0x180]  }
0x3e: {  	vm2 =	vgt.f32 v1, v2;
	vm3 =	vgt.f32 v14, v6;
	vm1 =	vgt.f32 v16, v3;
	v12 =	vld [tilespmem:$0xF0]  }
0x3f: {  	v9 =	vsel vm2, $0x3, v9;
	v6 =	vsel vm3, v14, v6;
	v3 =	vsel vm1, v16, v3;
	v13 =	vld [tilespmem:$0x1E0]  }
0x40: {  	v7 =	vsel vm3, $0x5, v7;
	v4 =	vsel vm1, $0x4, v4;
	vm1 =	vgt.f32 v11, v3;
	v14 =	vld [tilespmem:$0x170]  }
0x41: {  	v1 =	vsel vm2, v1, v2;
	v3 =	vsel vm1, v11, v3;
	v4 =	vsel vm1, $0x5, v4;
	v2 =	vld [tilespmem:$0x130]  }
0x42: {  	vm3 =	vgt.f32 v8, v6;
	vm2 =	vgt.f32 v17, v1;
	vm1 =	vgt.f32 v10, v3;
	v11 =	vld [tilespmem:$0x150]  }
0x43: {  	v6 =	vsel vm3, v8, v6;
	v7 =	vsel vm3, $0x6, v7;
	v16 =	vld [tilespmem:$0x190];
	vm3 =	vgt.f32 v12, v5  }
0x44: {  	v1 =	vsel vm2, v17, v1;
	v4 =	vsel vm1, $0x6, v4;
	v8 =	vld [tilespmem:$0x1C0];
	vm4 =	vgt.f32 v13, v6  }
0x45: {  	v3 =	vsel vm1, v10, v3;
	v6 =	vsel vm2, $0x4, v9;
	v7 =	vsel vm4, $0x7, v7;
	v9 =	vld [tilespmem:$0x1B0]  }
0x46: {  	v5 =	vsel vm3, v12, v5;
	v10 =	vld [tilespmem:$0x1D0];
	[tilespmem:$0x220] =	vst v7;
	v7 =	vsel vm0, $0x2, v15  }
0x47: {  	vm1 =	vgt.f32 v2, v5;
	vm0 =	vgt.f32 v11, v1;
	v7 =	vsel vm3, $0x3, v7  }
0x48: {  	v2 =	vsel vm1, v2, v5;
	v1 =	vsel vm0, v11, v1;
	v5 =	vsel vm1, $0x4, v7;
	v7 =	vld [tilespmem:$0x1F0]  }
0x49: {  	vm3 =	vgt.f32 v14, v2;
	vm1 =	vgt.f32 v8, v3;
	vm2 =	vgt.f32 v16, v1  }
0x4a: {  	v3 =	vsel vm0, $0x5, v6;
	v2 =	vsel vm3, v14, v2;
	v1 =	vsel vm2, v16, v1  }
0x4b: {  	v3 =	vsel vm2, $0x6, v3;
	vm2 =	vgt.f32 v9, v2;
	vm0 =	vgt.f32 v10, v1  }
0x4c: {  	v2 =	vsel vm2, v9, v2;
	v1 =	vsel vm0, $0x7, v3;
	v3 =	vsel vm3, $0x5, v5  }
0x4d: {  	v4 =	vsel vm1, $0x7, v4;
	[tilespmem:$0x210] =	vst v1;
	v1 =	vsel vm2, $0x6, v3;
	vm0 =	vgt.f32 v7, v2  }
0x4e: {  	[tilespmem:$0x200] =	vst v4;
	v1 =	vsel vm0, $0x7, v1  }
0x4f: {  	[tilespmem:$0x230] =	vst v1  }
0x50: {  	[hbm4b:s4+s2] =	stream.linear.scatter [tilespmem:s5], [sflag:$0x1], $0x40, $0x38;
	[tilespmem:$0x280] =	vst v63  }
0x51: {  	_ =	swait.ge [sflag:s3], $0x40  }
0x52: {  	[sflag:s3] =	ssyncset.done $0x0  }
0x53: {  	[sflag:s3] =	ssyncadd.s32 $0xFFFFFFC0  }
0x54: {  	[tilespmem:s2], [sflag:$0x1] =	stream.linear.gather [hbm4b:s6+s2], $0x40, $0x38;
	[tilespmem:$0x280] =	vst v63  }
0x55: {  	_ =	swait.ge [sflag:s3], $0x40  }
0x56: {  	[sflag:s3] =	ssyncset.done $0x0  }
0x57: {  	[sflag:s3] =	ssyncadd.s32 $0xFFFFFFC0  }
0x58: {  	[tilespmem:s8], [sflag:$0x1] =	stream.linear.gather [hbm4b:s7+s2], $0x40, $0x38;
	[tilespmem:$0x280] =	vst v63  }
0x59: {  	_ =	swait.ge [sflag:s3], $0x40  }
0x5a: {  	[sflag:s3] =	ssyncset.done $0x0  }
0x5b: {  	[sflag:s3] =	ssyncadd.s32 $0xFFFFFFC0  }
0x5c: {  	[tilespmem:s10], [sflag:$0x1] =	stream.linear.gather [hbm4b:s9+s2], $0x40, $0x38;
	[tilespmem:$0x280] =	vst v63  }
0x5d: {  	_ =	swait.ge [sflag:s3], $0x40  }
0x5e: {  	[sflag:s3] =	ssyncset.done $0x0  }
0x5f: {  	[sflag:s3] =	ssyncadd.s32 $0xFFFFFFC0  }
0x60: {  	[tilespmem:s12], [sflag:$0x1] =	stream.linear.gather [hbm4b:s11+s2], $0x40, $0x38;
	[tilespmem:$0x280] =	vst v63  }
0x61: {  	_ =	swait.ge [sflag:s3], $0x40  }
0x62: {  	[sflag:s3] =	ssyncset.done $0x0  }
0x63: {  	[sflag:s3] =	ssyncadd.s32 $0xFFFFFFC0  }
0x64: {  	[tilespmem:s14], [sflag:$0x1] =	stream.linear.gather [hbm4b:s13+s2], $0x40, $0x38;
	[tilespmem:$0x280] =	vst v63  }
0x65: {  	_ =	swait.ge [sflag:s3], $0x40  }
0x66: {  	[sflag:s3] =	ssyncset.done $0x0  }
0x67: {  	[sflag:s3] =	ssyncadd.s32 $0xFFFFFFC0  }
0x68: {  	[tilespmem:s16], [sflag:$0x1] =	stream.linear.gather [hbm4b:s15+s2], $0x40, $0x38;
	[tilespmem:$0x280] =	vst v63  }
0x69: {  	_ =	swait.ge [sflag:s3], $0x40  }
0x6a: {  	[sflag:s3] =	ssyncset.done $0x0  }
0x6b: {  	[sflag:s3] =	ssyncadd.s32 $0xFFFFFFC0  }
0x6c: {  	[tilespmem:s18], [sflag:$0x1] =	stream.linear.gather [hbm4b:s17+s2], $0x40, $0x38;
	[tilespmem:$0x280] =	vst v63  }
0x6d: {  	_ =	swait.ge [sflag:s3], $0x40  }
0x6e: {  	[sflag:s3] =	ssyncset.done $0x0  }
0x6f: {  	[sflag:s3] =	ssyncadd.s32 $0xFFFFFFC0  }
0x70: {  	[tilespmem:s20], [sflag:$0x1] =	stream.linear.gather [hbm4b:s19+s2], $0x40, $0x38;
	[tilespmem:$0x280] =	vst v63  }
0x71: {  	_ =	swait.ge [sflag:s3], $0x40  }
0x72: {  	[sflag:s3] =	ssyncset.done $0x0  }
0x73: {  	[sflag:s3] =	ssyncadd.s32 $0xFFFFFFC0  }
0x74: {  	v1 =	vld [tilespmem:$0xD0]  }
0x75: {  	v6 =	vld [tilespmem:$0x20]  }
0x76: {  	v2 =	vld [tilespmem:$0x90]  }
0x77: {  	v5 =	vld [tilespmem:$0x50]  }
0x78: {  	v10 =	vld [tilespmem:$0x70]  }
0x79: {  	v7 =	vld [tilespmem:$0x10]  }
0x7a: {  	v3 =	vld [tilespmem:$0x0]  }
0x7b: {  	v11 =	vld [tilespmem:$0x30]  }
0x7c: {  	v4 =	vld [tilespmem:$0x40]  }
.Ltmp1:
0x7d: {  	v9 =	vld [tilespmem:$0x60];
	(pc) =	sbr.rel @p0 .LBB2_1-.Ltmp1, $4  }
0x7e: {  	vm0 =	vgt.f32 v5, v7  }
0x7f: {  	v5 =	vsel vm0, v5, v7;
	v8 =	vld [tilespmem:$0xA0]  }
0x80: {  	vm3 =	vgt.f32 v2, v5;
	vm1 =	vgt.f32 v10, v11  }
0x81: {  	vm2 =	vgt.f32 v4, v3;
	v2 =	vsel vm3, v2, v5;
	v7 =	vld [tilespmem:$0xE0];
	v5 =	vsel vm1, v10, v11  }
.LBB2_2:
0x82: {  	v10 =	vld [tilespmem:$0xB0]  }
0x83: {  	vm4 =	vgt.f32 v9, v6;
	v11 =	vld [tilespmem:$0x80];
	v14 =	vsel vm0, $0x1, v0;
	v15 =	vsel vm1, $0x1, v0  }
0x84: {  	v3 =	vsel vm2, v4, v3;
	v39 =	vsel vm2, $0x1, v0;
	v16 =	vld [tilespmem:$0x110];
	v6 =	vsel vm4, v9, v6  }
0x85: {  	v35 =	vld [tilespmem:$0x120];
	v12 =	vsel vm4, $0x1, v0;
	v37 =	vsel vm3, $0x2, v14;
	vm5 =	vgt.f32 v8, v6  }
0x86: {  	v13 =	vld [tilespmem:$0xC0];
	v6 =	vsel vm5, v8, v6;
	v36 =	vsel vm5, $0x2, v12;
	vm8 =	vgt.f32 v1, v2  }
0x87: {  	v45 =	vld [tilespmem:$0xF0];
	vm15 =	vgt.f32 v7, v6;
	v46 =	vsel vm8, $0x3, v37;
	v1 =	vsel vm8, v1, v2  }
0x88: {  	v50 =	vld [tilespmem:$0x150];
	v6 =	vsel vm15, v7, v6;
	vm4 =	vgt.f32 v11, v3;
	v41 =	vsel vm15, $0x3, v36  }
0x89: {  	v38 =	vld [tilespmem:$0x160];
	vm0 =	vgt.f32 v10, v5;
	vm13 =	vgt.f32 v16, v1;
	v3 =	vsel vm4, v11, v3  }
0x8a: {  	v40 =	vld [tilespmem:$0x100];
	vm5 =	vgt.f32 v35, v6;
	v0 =	vsel vm4, $0x2, v39;
	v5 =	vsel vm0, v10, v5  }
0x8b: {  	v42 =	vld [tilespmem:$0x1A0];
	v1 =	vsel vm13, v16, v1;
	v4 =	vsel vm13, $0x4, v46;
	v55 =	vsel vm0, $0x2, v15  }
0x8c: {  	v49 =	vld [tilespmem:$0x130];
	vm6 =	vgt.f32 v13, v3;
	v7 =	vsel vm5, $0x4, v41;
	v6 =	vsel vm5, v35, v6  }
0x8d: {  	v43 =	vld [tilespmem:$0x140];
	vm14 =	vgt.f32 v45, v5;
	vm8 =	vgt.f32 v50, v1;
	v3 =	vsel vm6, v13, v3  }
0x8e: {  	v44 =	vld [tilespmem:$0x180];
	v0 =	vsel vm6, $0x3, v0;
	vm9 =	vgt.f32 v38, v6;
	v5 =	vsel vm14, v45, v5  }
0x8f: {  	v48 =	vld [tilespmem:$0x170];
	v56 =	vsel vm14, $0x3, v55;
	v1 =	vsel vm8, v50, v1;
	v60 =	vsel vm8, $0x5, v4  }
0x90: {  	v47 =	vld [tilespmem:$0x1E0];
	vm7 =	vgt.f32 v40, v3;
	v6 =	vsel vm9, v38, v6;
	v7 =	vsel vm9, $0x5, v7  }
0x91: {  	v53 =	vld [tilespmem:$0x1B0];
	vm9 =	vgt.f32 v49, v5;
	v3 =	vsel vm7, v40, v3;
	v0 =	vsel vm7, $0x4, v0  }
0x92: {  	v51 =	vld [tilespmem:$0x190];
	vm12 =	vgt.f32 v42, v6;
	v57 =	vsel vm9, v49, v5;
	v58 =	vsel vm9, $0x4, v56  }
0x93: {  	v52 =	vld [tilespmem:$0x1C0];
	vm10 =	vgt.f32 v43, v3;
	v6 =	vsel vm12, v42, v6;
	v7 =	vsel vm12, $0x6, v7  }
0x94: {  	v59 =	vld [tilespmem:$0x1F0];
	vm12 =	vgt.f32 v48, v57;
	v3 =	vsel vm10, v43, v3;
	v0 =	vsel vm10, $0x5, v0  }
0x95: {  	v54 =	vld [tilespmem:$0x1D0];
	vm15 =	vgt.f32 v47, v6;
	v2 =	vsel vm12, v48, v57;
	v61 =	vsel vm12, $0x5, v58  }
0x96: {  	vm11 =	vgt.f32 v44, v3;
	v7 =	vsel vm15, $0x7, v7;
	vm14 =	vgt.f32 v53, v2  }
0x97: {  	v0 =	vsel vm11, $0x6, v0;
	v3 =	vsel vm11, v44, v3;
	vm11 =	vgt.f32 v51, v1  }
0x98: {  	v2 =	vsel vm14, v53, v2;
	v62 =	vsel vm14, $0x6, v61;
	vm10 =	vgt.f32 v52, v3  }
0x99: {  	[tilespmem:$0x220] =	vst v7;
	v1 =	vsel vm11, v51, v1;
	vm15 =	vgt.f32 v59, v2;
	v0 =	vsel vm10, $0x7, v0  }
0x9a: {  	v3 =	vsel vm11, $0x6, v60;
	vm13 =	vgt.f32 v54, v1;
	v63 =	vsel vm15, $0x7, v62;
	[tilespmem:$0x200] =	vst v0  }
0x9b: {  	v1 =	vsel vm13, $0x7, v3;
	[tilespmem:$0x230] =	vst v63  }
0x9c: {  	[tilespmem:$0x210] =	vst v1  }
0x9d: {  	[hbm4b:s4+s2] =	stream.linear.scatter [tilespmem:s5], [sflag:$0x1], $0x40, $0x38;
	[tilespmem:$0x280] =	vst v63  }
0x9e: {  	_ =	swait.ge [sflag:s3], $0x40  }
0x9f: {  	[sflag:s3] =	ssyncset.done $0x0  }
0xa0: {  	[sflag:s3] =	ssyncadd.s32 $0xFFFFFFC0  }
0xa1: {  	_ =	sfence.sel $0x180000  }
0xa2: {  	[bflag:$0x0] =	sbarrier.arrive $0xFFFF  }
0xa3: {  	p0 =	sne.s32 s1, $0x0;
	_ =	strace $0x90000047  }
0xa4: {  	s0 =	sadd.s32 @!p0 $0x100000, s0;
	[bflag:$0x2] =	sbarrier.arrive $0xFFFF  }
0xa5: {  	[sflag:s0] =	ssyncadd.tile.s32 @!p0 $0x1;
	_ =	shalt  }
.Lfunc_end2:
_tile_overlayer_lowered:
.L_overlay_start_2:
0xa6: {  	(tag) =	ssettag $0x2  }
0xa7: {  	s0 =	rddreg [dreg:$0x0];
	s2 =	stileid.u32  }
0xa8: {  	s1 =	rddreg [dreg:$0x1];
	p0 =	sne.s32 s2, $0x0  }
0xa9: {  	s3 =	rddreg [dreg:$0x2];
	[bflag:$0x3] =	sbarrier.arrive $0xFFFF;
	s2 =	simm.s32 @!p0 $0x1C01  }
0xaa: {  	[timem:s3], [sflag:s2] =	dma.local @!p0 [hbm:s0], s1  }
0xab: {  	s0 =	simm.s32 @!p0 $0x1  }
0xac: {  	_ =	swait.ge @!p0 [sflag:s0], s1  }
0xad: {  	s1 =	ssub.s32 @!p0 $0x0, s1;
	[sflag:s0] =	ssyncset.done @!p0 $0x0  }
0xae: {  	[sflag:s0] =	ssyncadd.s32 @!p0 s1  }
0xaf: {  	[bflag:$0x3] =	sbarrier.arrive $0xFFFF  }
0xb0: {  	_ =	shalt  }

</sc_bundles>
